<compile_context>
chip_gen: v7x
topology: tpu7x:2x2x1
jax: 0.10.2.dev20260603
libtpu: 0.0.44.dev20260713+nightly
codegen_flags: <defaults>
</compile_context>

<pallas_src>
import jax
import jax.numpy as jnp
from jax.experimental import pallas as pl
from jax.experimental.pallas import tpu as pltpu
from jax.experimental.pallas import tpu_sc as plsc

N_G = 1024
N_LG = 4096
F = 128
NB = 16
BM = N_LG // NB
XB = N_G // NB
HALF = F // 2
EPS = 1e-5
WSC = 128
NSUB = 16


def _dot_t(z, w_ref):
    return jax.lax.dot_general(
        z, w_ref[...].astype(jnp.bfloat16),
        (((1,), (1,)), ((), ())), preferred_element_type=jnp.float32)


def _bn(z, s_ref, b_ref):
    m = jnp.mean(z, axis=0, keepdims=True)
    v = jnp.mean((z - m) ** 2, axis=0, keepdims=True)
    return (z - m) * jax.lax.rsqrt(v + EPS) * s_ref[...] + b_ref[...]


def _relu_hi(z):
    col = jax.lax.broadcasted_iota(jnp.int32, z.shape, 1)
    return jnp.where(col < HALF, z, jnp.maximum(z, 0.0))




def _sc_gather_segsum(x, y, pm2, g2, zrows):
    mesh = plsc.VectorSubcoreMesh(core_axis_name="core",
                                  subcore_axis_name="subcore")

    @pl.kernel(out_type=(jax.ShapeDtypeStruct((N_LG, F), jnp.float32),
                         jax.ShapeDtypeStruct((2, N_G, F), jnp.float32)),
               mesh=mesh,
               scratch_types=[pltpu.VMEM_SHARED((N_G, F), jnp.float32)])
    def k(x_hbm, y_hbm, pm_hbm, g_hbm, z_hbm, pmx_hbm, pmy_hbm, acc):
        ci = jax.lax.axis_index("core")
        si = jax.lax.axis_index("subcore")
        rows = pl.ds(si * (N_G // NSUB), N_G // NSUB)
        pltpu.sync_copy(z_hbm.at[rows], acc.at[rows])
        plsc.subcore_barrier()

        def gather_body(i_vmem, o_vmem):
            pltpu.sync_copy(x_hbm.at[i_vmem.at[0]], o_vmem)

        pltpu.emit_pipeline(
            gather_body,
            grid=(N_LG // WSC,),
            in_specs=[pl.BlockSpec((1, WSC), lambda i: (0, i))],
            out_specs=[pl.BlockSpec((WSC, F), lambda i: (i, 0))],
            core_axis_name=("core", "subcore"),
            dimension_semantics=(pltpu.PARALLEL,),
        )(pm_hbm, pmx_hbm)

        def segsum_body(y_vmem, i_vmem):
            pltpu.sync_copy(y_vmem, acc.at[i_vmem.at[0]], add=True)

        pltpu.emit_pipeline(
            segsum_body,
            grid=(N_LG // WSC,),
            in_specs=[pl.BlockSpec((WSC, F), lambda i: (i, 0)),
                      pl.BlockSpec((1, WSC), lambda i: (0, i))],
            out_specs=[],
            core_axis_name=("core", "subcore"),
            dimension_semantics=(pltpu.PARALLEL,),
        )(y_hbm, g_hbm)
        plsc.subcore_barrier()
        pltpu.sync_copy(acc.at[rows], pmy_hbm.at[ci].at[rows])

    return k(x, y, pm2, g2, zrows)




def _main_body(mlt_ref, mltt_ref, mgt_ref, mgtt_ref, x_ref, y_ref,
               deg_g_ref, deg_lg_ref,
               wtx_ref, wtd_ref, wtl0_ref, wtl1_ref,
               wgy_ref, wgd_ref, wgl0_ref, wgl1_ref,
               bias_x_ref, bias_y_ref,
               xp_ref, yp_ref,
               ybf_ref, xbf_ref):
    i = pl.program_id(0)

    @pl.when(i == 0)
    def _init():
        ybf_ref[...] = y_ref[...].astype(jnp.bfloat16)
        xbf_ref[...] = x_ref[...].astype(jnp.bfloat16)

    ybf = ybf_ref[...]
    xbf = xbf_ref[...]

    y0 = jnp.dot(mlt_ref[...].astype(jnp.bfloat16), ybf,
                 preferred_element_type=jnp.float32)
    y1 = jnp.dot(mltt_ref[...].astype(jnp.bfloat16), ybf,
                 preferred_element_type=jnp.float32)
    y_rows = y_ref[pl.ds(i * BM, BM), :]
    yp_ref[...] = (_dot_t(y0.astype(jnp.bfloat16), wgl0_ref)
                   + _dot_t(y1.astype(jnp.bfloat16), wgl1_ref)
                   + _dot_t(y_rows.astype(jnp.bfloat16), wgy_ref)
                   + _dot_t((y_rows * deg_lg_ref[...]).astype(jnp.bfloat16),
                            wgd_ref)
                   + bias_y_ref[...])

    x0 = jnp.dot(mgt_ref[...].astype(jnp.bfloat16), xbf,
                 preferred_element_type=jnp.float32)
    x1 = jnp.dot(mgtt_ref[...].astype(jnp.bfloat16), xbf,
                 preferred_element_type=jnp.float32)
    x_rows = x_ref[pl.ds(i * XB, XB), :]
    xp_ref[...] = (_dot_t(x0.astype(jnp.bfloat16), wtl0_ref)
                   + _dot_t(x1.astype(jnp.bfloat16), wtl1_ref)
                   + _dot_t(x_rows.astype(jnp.bfloat16), wtx_ref)
                   + _dot_t((x_rows * deg_g_ref[...]).astype(jnp.bfloat16),
                            wtd_ref)
                   + bias_x_ref[...])


def _tc_main(x, y, deg_g, deg_lg, mask_g_t, mask_g_tt, mask_lg_t, mask_lg_tt,
             Wtx, Wtd, Wtl0, Wtl1, Wgy, Wgd, Wgl0, Wgl1, bias_x, bias_y):
    const = lambda i: (0, 0)
    row = lambda i: (i, 0)
    wspec = pl.BlockSpec((F, F), const)
    vspec = pl.BlockSpec((1, F), const)
    return pl.pallas_call(
        _main_body,
        grid=(NB,),
        in_specs=[
            pl.BlockSpec((BM, N_LG), row),
            pl.BlockSpec((BM, N_LG), row),
            pl.BlockSpec((XB, N_G), row),
            pl.BlockSpec((XB, N_G), row),
            pl.BlockSpec((N_G, F), const),
            pl.BlockSpec((N_LG, F), const),
            pl.BlockSpec((XB, 1), row),
            pl.BlockSpec((BM, 1), row),
            wspec, wspec, wspec, wspec,
            wspec, wspec, wspec, wspec,
            vspec, vspec,
        ],
        out_specs=(pl.BlockSpec((XB, F), row),
                   pl.BlockSpec((BM, F), row)),
        out_shape=(jax.ShapeDtypeStruct((N_G, F), jnp.float32),
                   jax.ShapeDtypeStruct((N_LG, F), jnp.float32)),
        scratch_shapes=[
            pltpu.VMEM((N_LG, F), jnp.bfloat16),
            pltpu.VMEM((N_G, F), jnp.bfloat16),
        ],
        compiler_params=pltpu.CompilerParams(
            dimension_semantics=("arbitrary",),
        ),
    )(mask_lg_t, mask_lg_tt, mask_g_t, mask_g_tt, x, y, deg_g, deg_lg,
      Wtx, Wtd, Wtl0, Wtl1, Wgy, Wgd, Wgl0, Wgl1, bias_x, bias_y)




def _epi_body(xp_ref, yp_ref, pmx_ref, pmy_ref, wty_ref, wgx_ref,
              bnx_s_ref, bnx_b_ref, bny_s_ref, bny_b_ref,
              xn_ref, yn_ref):
    pmy = (pmy_ref[0] + pmy_ref[1]).astype(jnp.bfloat16)
    xn = xp_ref[...] + _dot_t(pmy, wty_ref)
    xn_ref[...] = _bn(_relu_hi(xn), bnx_s_ref, bnx_b_ref)
    yn = yp_ref[...] + _dot_t(pmx_ref[...].astype(jnp.bfloat16), wgx_ref)
    yn_ref[...] = _bn(_relu_hi(yn), bny_s_ref, bny_b_ref)


def _tc_epilogue(xp, yp, pmx, pmy, Wty, Wgx, bnx_s, bnx_b, bny_s, bny_b):
    const = lambda: (0, 0)
    wspec = pl.BlockSpec((F, F), const)
    vspec = pl.BlockSpec((1, F), const)
    return pl.pallas_call(
        _epi_body,
        grid=(),
        in_specs=[
            pl.BlockSpec((N_G, F), const),
            pl.BlockSpec((N_LG, F), const),
            pl.BlockSpec((N_LG, F), const),
            pl.BlockSpec((2, N_G, F), lambda: (0, 0, 0)),
            wspec, wspec, vspec, vspec, vspec, vspec,
        ],
        out_specs=(pl.BlockSpec((N_G, F), const),
                   pl.BlockSpec((N_LG, F), const)),
        out_shape=(jax.ShapeDtypeStruct((N_G, F), jnp.float32),
                   jax.ShapeDtypeStruct((N_LG, F), jnp.float32)),
    )(xp, yp, pmx, pmy, Wty, Wgx, bnx_s, bnx_b, bny_s, bny_b)


def kernel(g, lg, x, y, deg_g, deg_lg, pm_pd, g_t, g_tt, lg_t, lg_tt,
           mask_g_t, mask_g_tt, mask_lg_t, mask_lg_tt,
           Wtx, btx, Wtd, btd, Wty, bty, Wtl0, btl0, Wtl1, btl1,
           Wgy, bgy, Wgd, bgd, Wgx, bgx, Wgl0, bgl0, Wgl1, bgl1,
           bnx_s, bnx_b, bny_s, bny_b):
    bias_x = (btx + btd + btl0 + btl1 + bty).reshape(1, F)
    bias_y = (bgy + bgd + bgl0 + bgl1 + bgx).reshape(1, F)
    pm2 = pm_pd.astype(jnp.int32).reshape(1, N_LG)
    g2 = g.astype(jnp.int32).reshape(1, N_LG)
    zrows = jnp.zeros((N_G, F), jnp.float32)
    pmx, pmy = _sc_gather_segsum(x, y, pm2, g2, zrows)
    xp, yp = _tc_main(x, y, deg_g, deg_lg,
                      mask_g_t, mask_g_tt, mask_lg_t, mask_lg_tt,
                      Wtx, Wtd, Wtl0, Wtl1, Wgy, Wgd, Wgl0, Wgl1,
                      bias_x, bias_y)
    return (xp + (pmy[0] + pmy[1]), yp + pmx)
    xp, yp = _tc_main(x, y, deg_g, deg_lg,
                      mask_g_t, mask_g_tt, mask_lg_t, mask_lg_tt,
                      Wtx, Wtd, Wtl0, Wtl1, Wgy, Wgd, Wgl0, Wgl1,
                      bias_x, bias_y)
    return _tc_epilogue(xp, yp, pmx, pmy, Wty, Wgx,
                        bnx_s.reshape(1, F), bnx_b.reshape(1, F),
                        bny_s.reshape(1, F), bny_b.reshape(1, F))

# --- scband reference (transcript-rebuilt; emitter-appended) ---
"""Pipeline reference for scband-gnnmodule-2061584302893 (READ-ONLY COPY).

The authoritative reference and input builder live on the scoring server;
editing this copy changes nothing except your own understanding.
"""

import jax, jax.numpy as jnp
import numpy as np

N_G = 1024
N_LG = 4096
IN_F = 128
OUT_F = 128


def _lin(W, b, z):
    return z @ W.T + b


def _bn(z, s, b, eps=1e-5):
    m = jnp.mean(z, axis=0)
    v = jnp.var(z, axis=0)
    return (z - m) / jnp.sqrt(v + eps) * s + b


def _fwd(g, pm_pd, x, y, deg_g, deg_lg, mask_g_t, mask_g_tt, mask_lg_t, mask_lg_tt,
         Wtx, btx, Wtd, btd, Wty, bty, Wtl0, btl0, Wtl1, btl1,
         Wgy, bgy, Wgd, bgd, Wgx, bgx, Wgl0, bgl0, Wgl1, bgl1,
         bnx_s, bnx_b, bny_s, bny_b):
    # pmpd_x = F.embedding(pm_pd, x)
    pmpd_x = jnp.take(x, pm_pd, axis=0)
    # x_list from t-hop / 2t-hop dense masks
    x0 = mask_g_t @ x
    x1 = mask_g_tt @ x
    sum_x = _lin(Wtl0, btl0, x0) + _lin(Wtl1, btl1, x1)
    # g.update_all(copy_edge('y'), sum) -> per-node sum of incident edge features
    pmpd_y = jax.ops.segment_sum(y, g, num_segments=N_G)
    xn = _lin(Wtx, btx, x) + _lin(Wtd, btd, deg_g * x) + sum_x + _lin(Wty, bty, pmpd_y)
    n = OUT_F // 2
    xn = jnp.concatenate([xn[:, :n], jax.nn.relu(xn[:, n:])], axis=1)
    xn = _bn(xn, bnx_s, bnx_b)
    # line-graph branch
    y0 = mask_lg_t @ y
    y1 = mask_lg_tt @ y
    sum_y = _lin(Wgl0, bgl0, y0) + _lin(Wgl1, bgl1, y1)
    yn = _lin(Wgy, bgy, y) + _lin(Wgd, bgd, deg_lg * y) + sum_y + _lin(Wgx, bgx, pmpd_x)
    yn = jnp.concatenate([yn[:, :n], jax.nn.relu(yn[:, n:])], axis=1)
    yn = _bn(yn, bny_s, bny_b)
    return (xn, yn)


def setup_inputs(seed: int = 0):
    key = jax.random.key(seed)
    ks = jax.random.split(key, 40)
    inp = {}
    inp["g"] = jax.random.randint(ks[0], (N_LG,), 0, N_G)
    inp["lg"] = jax.random.randint(ks[1], (N_LG,), 0, N_LG)
    inp["x"] = jax.random.normal(ks[2], (N_G, IN_F), dtype=jnp.float32)
    inp["y"] = jax.random.normal(ks[3], (N_LG, IN_F), dtype=jnp.float32)
    inp["deg_g"] = jax.random.uniform(ks[4], (N_G, 1), dtype=jnp.float32)
    inp["deg_lg"] = jax.random.uniform(ks[5], (N_LG, 1), dtype=jnp.float32)
    inp["pm_pd"] = jax.random.randint(ks[6], (N_LG,), 0, N_G)
    inp["g_t"] = jax.random.randint(ks[7], (2, N_LG), 0, N_G)
    inp["g_tt"] = jax.random.randint(ks[8], (2, N_LG), 0, N_G)
    inp["lg_t"] = jax.random.randint(ks[9], (2, N_LG), 0, N_LG)
    inp["lg_tt"] = jax.random.randint(ks[10], (2, N_LG), 0, N_LG)
    inp["mask_g_t"] = jax.random.uniform(ks[11], (N_G, N_G), dtype=jnp.float32) * (1.0 / N_G)
    inp["mask_g_tt"] = jax.random.uniform(ks[12], (N_G, N_G), dtype=jnp.float32) * (1.0 / N_G)
    inp["mask_lg_t"] = jax.random.uniform(ks[13], (N_LG, N_LG), dtype=jnp.float32) * (1.0 / N_LG)
    inp["mask_lg_tt"] = jax.random.uniform(ks[14], (N_LG, N_LG), dtype=jnp.float32) * (1.0 / N_LG)
    wnames = ["Wtx", "Wtd", "Wty", "Wtl0", "Wtl1", "Wgy", "Wgd", "Wgx", "Wgl0", "Wgl1"]
    for i, nm in enumerate(wnames):
        inp[nm] = jax.random.normal(ks[15 + i], (OUT_F, IN_F), dtype=jnp.float32) * 0.05
        inp["b" + nm[1:]] = jnp.zeros((OUT_F,), dtype=jnp.float32)
    inp["bnx_s"] = jnp.ones((OUT_F,), dtype=jnp.float32)
    inp["bnx_b"] = jnp.zeros((OUT_F,), dtype=jnp.float32)
    inp["bny_s"] = jnp.ones((OUT_F,), dtype=jnp.float32)
    inp["bny_b"] = jnp.zeros((OUT_F,), dtype=jnp.float32)
    return inp


def reference(g, lg, x, y, deg_g, deg_lg, pm_pd, g_t, g_tt, lg_t, lg_tt,
              mask_g_t, mask_g_tt, mask_lg_t, mask_lg_tt,
              Wtx, btx, Wtd, btd, Wty, bty, Wtl0, btl0, Wtl1, btl1,
              Wgy, bgy, Wgd, bgd, Wgx, bgx, Wgl0, bgl0, Wgl1, bgl1,
              bnx_s, bnx_b, bny_s, bny_b):
    # g_t/g_tt/lg_t/lg_tt are unused by the original forward (masks carry the hop structure)
    return _fwd(g, pm_pd, x, y, deg_g, deg_lg, mask_g_t, mask_g_tt, mask_lg_t, mask_lg_tt,
                Wtx, btx, Wtd, btd, Wty, bty, Wtl0, btl0, Wtl1, btl1,
                Wgy, bgy, Wgd, bgd, Wgx, bgx, Wgl0, bgl0, Wgl1, bgl1,
                bnx_s, bnx_b, bny_s, bny_b)

if __name__ == "__main__":
    import jax
    _d = setup_inputs()
    print(jax.jit(kernel)(*tuple(_d.values())))

</pallas_src>

<mosaic_0001>
#map = affine_map<(d0, d1) -> (0, 0)>
#map1 = affine_map<(d0, d1) -> (0, 0, 0)>
module attributes {stable_mosaic.version = 14 : i64} {
  func.func @k(%arg0: i32, %arg1: i32, %arg2: memref<1024x128xf32, #tpu.memory_space<hbm>>, %arg3: memref<4096x128xf32, #tpu.memory_space<hbm>>, %arg4: memref<1x4096xi32, #tpu.memory_space<hbm>>, %arg5: memref<1x4096xi32, #tpu.memory_space<hbm>>, %arg6: memref<1024x128xf32, #tpu.memory_space<hbm>>, %arg7: memref<4096x128xf32, #tpu.memory_space<hbm>>, %arg8: memref<2x1024x128xf32, #tpu.memory_space<hbm>>, %arg9: memref<1024x128xf32, #tpu.memory_space<vmem_shared>>) attributes {dimension_semantics = [#tpu.dimension_semantics<core_parallel>, #tpu.dimension_semantics<subcore_parallel>], iteration_bounds = array<i64: 2, 16>, scalar_prefetch = 0 : i64, scratch_operands = 1 : i64, tpu.core_type = #tpu.core_type<sc_vector_subcore>, window_params = [{transform_indices = #map}, {transform_indices = #map}, {transform_indices = #map}, {transform_indices = #map}, {transform_indices = #map}, {transform_indices = #map}, {transform_indices = #map1}]} {
    %mul3A = arith.constant 64 : i32
    %mul3A_0 = arith.muli %arg1, %mul3A : i32
    "tpu.region"() ({
      %run_scoped3A = tpu.sem_alloc : memref<!tpu.dma_semaphore, #tpu.memory_space<semaphore_mem>>
      %dma_start3A = arith.constant 0 : i32
      %dma_start3A_19 = tpu.memref_slice %arg9[%mul3A_0, %dma_start3A] : memref<1024x128xf32, #tpu.memory_space<vmem_shared>> -> memref<64x128xf32, #tpu.memory_space<vmem_shared>>
      %dma_start3A_20 = arith.constant 0 : i32
      %dma_start3A_21 = tpu.memref_slice %arg6[%mul3A_0, %dma_start3A_20] : memref<1024x128xf32, #tpu.memory_space<hbm>> -> memref<64x128xf32, #tpu.memory_space<hbm>>
      tpu.enqueue_dma source(%dma_start3A_21 : memref<64x128xf32, #tpu.memory_space<hbm>>) target(%dma_start3A_19 : memref<64x128xf32, #tpu.memory_space<vmem_shared>>) target_semaphore(%run_scoped3A : memref<!tpu.dma_semaphore, #tpu.memory_space<semaphore_mem>>)
      %dma_wait3A = arith.constant 0 : i32
      %dma_wait3A_22 = tpu.memref_slice %arg9[%mul3A_0, %dma_wait3A] : memref<1024x128xf32, #tpu.memory_space<vmem_shared>> -> memref<64x128xf32, #tpu.memory_space<vmem_shared>>
      %dma_wait3A_23 = arith.constant 0 : i32
      %dma_wait3A_24 = tpu.memref_slice %arg6[%mul3A_0, %dma_wait3A_23] : memref<1024x128xf32, #tpu.memory_space<hbm>> -> memref<64x128xf32, #tpu.memory_space<hbm>>
      tpu.wait_dma2 semaphore(%run_scoped3A : memref<!tpu.dma_semaphore, #tpu.memory_space<semaphore_mem>>) src(%dma_wait3A_24 : memref<64x128xf32, #tpu.memory_space<hbm>>) dst(%dma_wait3A_22 : memref<64x128xf32, #tpu.memory_space<vmem_shared>>)
      tpu.yield
    }) : () -> ()
    %barrier3A = arith.constant 0 : index
    tpu.barrier barrier_id(%barrier3A)
    %mul3A_1 = arith.constant 1 : i32
    %mul3A_2 = arith.muli %arg1, %mul3A_1 : i32
    %add3A = arith.constant 0 : i32
    %add3A_3 = arith.addi %add3A, %mul3A_2 : i32
    %mul3A_4 = arith.constant 16 : i32
    %mul3A_5 = arith.muli %arg0, %mul3A_4 : i32
    %add3A_6 = arith.addi %add3A_3, %mul3A_5 : i32
    %mul3A_7 = arith.constant 1 : i32
    %mul3A_8 = arith.muli %add3A_6, %mul3A_7 : i32
    "tpu.region"() ({
      %run_scoped3A = memref.alloca() : memref<2x1x128xi32, #tpu.memory_space<vmem>>
      %run_scoped3A_19 = tpu.sem_alloc : memref<2x!tpu.dma_semaphore, #tpu.memory_space<semaphore_mem>>
      %run_scoped3A_20 = memref.alloca() : memref<2x128x128xf32, #tpu.memory_space<vmem>>
      %run_scoped3A_21 = tpu.sem_alloc : memref<2x!tpu.dma_semaphore, #tpu.memory_space<semaphore_mem>>
      %add3A_22 = arith.constant 0 : i32
      %add3A_23 = arith.addi %add3A_22, %mul3A_8 : i32
      %select_n3A = arith.constant true
      %select_n3A_24 = arith.constant 0 : i32
      %select_n3A_25 = arith.constant -1 : i32
      %select_n3A_26 = arith.select %select_n3A, %select_n3A_25, %select_n3A_24 : i32
      %eq3A = arith.constant -1 : i32
      %eq3A_27 = arith.cmpi eq, %select_n3A_26, %eq3A : i32
      %select_n3A_28 = arith.constant 0 : i32
      %select_n3A_29 = arith.select %eq3A_27, %select_n3A_28, %select_n3A_26 : i32
      %add3A_30 = arith.constant 0 : i32
      %add3A_31 = arith.addi %add3A_30, %mul3A_8 : i32
      %select_n3A_32 = arith.constant true
      %select_n3A_33 = arith.constant 0 : i32
      %select_n3A_34 = arith.constant 1 : i32
      %select_n3A_35 = arith.select %select_n3A_32, %select_n3A_34, %select_n3A_33 : i32
      %eq3A_36 = arith.constant 1 : i32
      %eq3A_37 = arith.cmpi eq, %select_n3A_35, %eq3A_36 : i32
      %select_n3A_38 = arith.constant 0 : i32
      %select_n3A_39 = arith.select %eq3A_37, %select_n3A_38, %select_n3A_35 : i32
      %add3A_40 = arith.constant 0 : i32
      %add3A_41 = arith.addi %add3A_40, %mul3A_8 : i32
      %select_n3A_42 = arith.constant true
      %select_n3A_43 = arith.constant 0 : i32
      %select_n3A_44 = arith.constant 1 : i32
      %select_n3A_45 = arith.select %select_n3A_42, %select_n3A_44, %select_n3A_43 : i32
      %eq3A_46 = arith.constant 1 : i32
      %eq3A_47 = arith.cmpi eq, %select_n3A_45, %eq3A_46 : i32
      %select_n3A_48 = arith.constant 0 : i32
      %select_n3A_49 = arith.select %eq3A_47, %select_n3A_48, %select_n3A_45 : i32
      %add3A_50 = arith.constant 0 : i32
      %add3A_51 = arith.addi %add3A_50, %mul3A_8 : i32
      "tpu.trace_start"() <{level = 10 : i32, message = "ep_initialize_0"}> : () -> ()
      %rem3A = arith.constant 0 : i32
      %rem3A_52 = arith.constant 2 : i32
      %rem3A_53 = arith.remui %rem3A, %rem3A_52 : i32
      %mul3A_54 = arith.constant 128 : i32
      %mul3A_55 = arith.muli %mul3A_54, %add3A_23 : i32
      %dma_start3A = arith.constant 0 : i32
      %dma_start3A_56 = arith.constant 0 : i32
      %dma_start3A_57 = tpu.memref_slice %run_scoped3A[%rem3A_53, %dma_start3A, %dma_start3A_56] : memref<2x1x128xi32, #tpu.memory_space<vmem>> -> memref<1x1x128xi32, #tpu.memory_space<vmem>>
      %dma_start3A_58 = tpu.memref_squeeze %dma_start3A_57 : memref<1x1x128xi32, #tpu.memory_space<vmem>> -> memref<1x128xi32, #tpu.memory_space<vmem>>
      %dma_start3A_59 = arith.constant 0 : i32
      %dma_start3A_60 = tpu.memref_slice %arg4[%dma_start3A_59, %mul3A_55] : memref<1x4096xi32, #tpu.memory_space<hbm>> -> memref<1x128xi32, #tpu.memory_space<hbm>>
      %dma_start3A_61 = tpu.memref_slice %run_scoped3A_19[%rem3A_53] : memref<2x!tpu.dma_semaphore, #tpu.memory_space<semaphore_mem>> -> memref<1x!tpu.dma_semaphore, #tpu.memory_space<semaphore_mem>>
      %dma_start3A_62 = tpu.memref_squeeze %dma_start3A_61 : memref<1x!tpu.dma_semaphore, #tpu.memory_space<semaphore_mem>> -> memref<!tpu.dma_semaphore, #tpu.memory_space<semaphore_mem>>
      %dma_start3A_63 = arith.constant 0 : i32
      %dma_start3A_64 = arith.constant 0 : i32
      %dma_start3A_65 = tpu.memref_slice %run_scoped3A[%rem3A_53, %dma_start3A_63, %dma_start3A_64] : memref<2x1x128xi32, #tpu.memory_space<vmem>> -> memref<1x1x128xi32, #tpu.memory_space<vmem>>
      %dma_start3A_66 = tpu.memref_squeeze %dma_start3A_65 : memref<1x1x128xi32, #tpu.memory_space<vmem>> -> memref<1x128xi32, #tpu.memory_space<vmem>>
      %dma_start3A_67 = arith.constant 0 : i32
      %dma_start3A_68 = tpu.memref_slice %arg4[%dma_start3A_67, %mul3A_55] : memref<1x4096xi32, #tpu.memory_space<hbm>> -> memref<1x128xi32, #tpu.memory_space<hbm>>
      tpu.enqueue_dma source(%dma_start3A_68 : memref<1x128xi32, #tpu.memory_space<hbm>>) target(%dma_start3A_66 : memref<1x128xi32, #tpu.memory_space<vmem>>) target_semaphore(%dma_start3A_62 : memref<!tpu.dma_semaphore, #tpu.memory_space<semaphore_mem>>)
      %add3A_69 = arith.constant 0 : i32
      %add3A_70 = arith.constant 1 : i32
      %add3A_71 = arith.addi %add3A_69, %add3A_70 : i32
      %select_n3A_72 = arith.constant true
      %select_n3A_73 = arith.constant 0 : i32
      %select_n3A_74 = arith.select %select_n3A_72, %add3A_71, %select_n3A_73 : i32
      "tpu.trace_stop"() : () -> ()
      %scan3A = arith.constant 0 : i32
      %scan3A_75 = arith.constant 0 : i32
      %scan3A_76 = arith.constant 0 : i32
      %scan3A_77 = arith.constant 0 : i32
      %scan3A_78 = arith.constant 0 : i32
      %eq3A_79 = arith.constant 0 : i32
      %eq3A_80 = arith.cmpi eq, %scan3A_78, %eq3A_79 : i32
      %eq3A_81 = arith.constant 0 : i32
      %eq3A_82 = arith.cmpi eq, %scan3A_78, %eq3A_81 : i32
      %add3A_83 = arith.constant 0 : i32
      %add3A_84 = arith.addi %add3A_83, %mul3A_8 : i32
      %select_n3A_85 = arith.constant true
      %select_n3A_86 = arith.constant 0 : i32
      %select_n3A_87 = arith.constant -1 : i32
      %select_n3A_88 = arith.select %select_n3A_85, %select_n3A_87, %select_n3A_86 : i32
      %eq3A_89 = arith.constant -1 : i32
      %eq3A_90 = arith.cmpi eq, %select_n3A_88, %eq3A_89 : i32
      %select_n3A_91 = arith.constant 0 : i32
      %select_n3A_92 = arith.select %eq3A_90, %select_n3A_91, %select_n3A_88 : i32
      %add3A_93 = arith.constant 0 : i32
      %add3A_94 = arith.addi %add3A_93, %mul3A_8 : i32
      %select_n3A_95 = arith.constant true
      %select_n3A_96 = arith.constant 0 : i32
      %select_n3A_97 = arith.constant 1 : i32
      %select_n3A_98 = arith.select %select_n3A_95, %select_n3A_97, %select_n3A_96 : i32
      %eq3A_99 = arith.constant 1 : i32
      %eq3A_100 = arith.cmpi eq, %select_n3A_98, %eq3A_99 : i32
      %select_n3A_101 = arith.constant 0 : i32
      %select_n3A_102 = arith.select %eq3A_100, %select_n3A_101, %select_n3A_98 : i32
      %add3A_103 = arith.constant 0 : i32
      %add3A_104 = arith.addi %add3A_103, %mul3A_8 : i32
      %select_n3A_105 = arith.constant true
      %select_n3A_106 = arith.constant 0 : i32
      %select_n3A_107 = arith.constant 1 : i32
      %select_n3A_108 = arith.select %select_n3A_105, %select_n3A_107, %select_n3A_106 : i32
      %eq3A_109 = arith.constant 1 : i32
      %eq3A_110 = arith.cmpi eq, %select_n3A_108, %eq3A_109 : i32
      %select_n3A_111 = arith.constant 0 : i32
      %select_n3A_112 = arith.select %eq3A_110, %select_n3A_111, %select_n3A_108 : i32
      %add3A_113 = arith.constant 0 : i32
      %add3A_114 = arith.addi %add3A_113, %mul3A_8 : i32
      %ne3A = arith.cmpi ne, %add3A_84, %add3A_104 : i32
      %or3A = arith.constant false
      %or3A_115 = arith.ori %or3A, %ne3A : i1
      %ge3A = arith.constant 0 : i32
      %ge3A_116 = arith.cmpi sge, %scan3A_78, %ge3A : i32
      %not3A = arith.constant true
      %not3A_117 = arith.xori %ge3A_116, %not3A : i1
      %and3A = arith.andi %or3A_115, %not3A_117 : i1
      %convert_element_type3A = arith.extui %and3A : i1 to i32
      %cond3A = arith.constant 0 : i32
      %cond3A_118 = arith.cmpi ne, %convert_element_type3A, %cond3A : i32
      scf.if %cond3A_118 {
        "tpu.trace_start"() <{level = 10 : i32, message = "ep_copy_in"}> : () -> ()
        %rem3A_278 = arith.constant 2 : i32
        %rem3A_279 = arith.remui %select_n3A_74, %rem3A_278 : i32
        %mul3A_280 = arith.constant 128 : i32
        %mul3A_281 = arith.muli %mul3A_280, %add3A_104 : i32
        %dma_start3A_282 = arith.constant 0 : i32
        %dma_start3A_283 = arith.constant 0 : i32
        %dma_start3A_284 = tpu.memref_slice %run_scoped3A[%rem3A_279, %dma_start3A_282, %dma_start3A_283] : memref<2x1x128xi32, #tpu.memory_space<vmem>> -> memref<1x1x128xi32, #tpu.memory_space<vmem>>
        %dma_start3A_285 = tpu.memref_squeeze %dma_start3A_284 : memref<1x1x128xi32, #tpu.memory_space<vmem>> -> memref<1x128xi32, #tpu.memory_space<vmem>>
        %dma_start3A_286 = arith.constant 0 : i32
        %dma_start3A_287 = tpu.memref_slice %arg4[%dma_start3A_286, %mul3A_281] : memref<1x4096xi32, #tpu.memory_space<hbm>> -> memref<1x128xi32, #tpu.memory_space<hbm>>
        %dma_start3A_288 = tpu.memref_slice %run_scoped3A_19[%rem3A_279] : memref<2x!tpu.dma_semaphore, #tpu.memory_space<semaphore_mem>> -> memref<1x!tpu.dma_semaphore, #tpu.memory_space<semaphore_mem>>
        %dma_start3A_289 = tpu.memref_squeeze %dma_start3A_288 : memref<1x!tpu.dma_semaphore, #tpu.memory_space<semaphore_mem>> -> memref<!tpu.dma_semaphore, #tpu.memory_space<semaphore_mem>>
        %dma_start3A_290 = arith.constant 0 : i32
        %dma_start3A_291 = arith.constant 0 : i32
        %dma_start3A_292 = tpu.memref_slice %run_scoped3A[%rem3A_279, %dma_start3A_290, %dma_start3A_291] : memref<2x1x128xi32, #tpu.memory_space<vmem>> -> memref<1x1x128xi32, #tpu.memory_space<vmem>>
        %dma_start3A_293 = tpu.memref_squeeze %dma_start3A_292 : memref<1x1x128xi32, #tpu.memory_space<vmem>> -> memref<1x128xi32, #tpu.memory_space<vmem>>
        %dma_start3A_294 = arith.constant 0 : i32
        %dma_start3A_295 = tpu.memref_slice %arg4[%dma_start3A_294, %mul3A_281] : memref<1x4096xi32, #tpu.memory_space<hbm>> -> memref<1x128xi32, #tpu.memory_space<hbm>>
        tpu.enqueue_dma source(%dma_start3A_295 : memref<1x128xi32, #tpu.memory_space<hbm>>) target(%dma_start3A_293 : memref<1x128xi32, #tpu.memory_space<vmem>>) target_semaphore(%dma_start3A_289 : memref<!tpu.dma_semaphore, #tpu.memory_space<semaphore_mem>>)
        "tpu.trace_stop"() : () -> ()
      } else {
      }
      %and3A_119 = arith.constant true
      %and3A_120 = arith.andi %and3A, %and3A_119 : i1
      %add3A_121 = arith.constant 1 : i32
      %add3A_122 = arith.addi %select_n3A_74, %add3A_121 : i32
      %select_n3A_123 = arith.select %and3A_120, %add3A_122, %select_n3A_74 : i32
      %ne3A_124 = arith.cmpi ne, %add3A_84, %add3A_104 : i32
      %or3A_125 = arith.constant false
      %or3A_126 = arith.ori %or3A_125, %ne3A_124 : i1
      %or3A_127 = arith.constant false
      %or3A_128 = arith.ori %or3A_126, %or3A_127 : i1
      %ge3A_129 = arith.constant 0 : i32
      %ge3A_130 = arith.cmpi sge, %scan3A_78, %ge3A_129 : i32
      %not3A_131 = arith.constant true
      %not3A_132 = arith.xori %ge3A_130, %not3A_131 : i1
      %and3A_133 = arith.andi %or3A_128, %not3A_132 : i1
      %ne3A_134 = arith.cmpi ne, %add3A_84, %add3A_94 : i32
      %or3A_135 = arith.constant false
      %or3A_136 = arith.ori %or3A_135, %ne3A_134 : i1
      %or3A_137 = arith.ori %or3A_136, %eq3A_80 : i1
      %convert_element_type3A_138 = arith.extui %or3A_137 : i1 to i32
      %cond3A_139 = arith.constant 0 : i32
      %cond3A_140 = arith.cmpi ne, %convert_element_type3A_138, %cond3A_139 : i32
      scf.if %cond3A_140 {
        "tpu.trace_start"() <{level = 10 : i32, message = "ep_wait_in"}> : () -> ()
        %mul3A_278 = arith.constant 128 : i32
        %mul3A_279 = arith.muli %mul3A_278, %add3A_84 : i32
        %rem3A_280 = arith.constant 2 : i32
        %rem3A_281 = arith.remui %scan3A, %rem3A_280 : i32
        %dma_wait3A_282 = arith.constant 0 : i32
        %dma_wait3A_283 = arith.constant 0 : i32
        %dma_wait3A_284 = tpu.memref_slice %run_scoped3A[%rem3A_281, %dma_wait3A_282, %dma_wait3A_283] : memref<2x1x128xi32, #tpu.memory_space<vmem>> -> memref<1x1x128xi32, #tpu.memory_space<vmem>>
        %dma_wait3A_285 = tpu.memref_squeeze %dma_wait3A_284 : memref<1x1x128xi32, #tpu.memory_space<vmem>> -> memref<1x128xi32, #tpu.memory_space<vmem>>
        %dma_wait3A_286 = arith.constant 0 : i32
        %dma_wait3A_287 = tpu.memref_slice %arg4[%dma_wait3A_286, %mul3A_279] : memref<1x4096xi32, #tpu.memory_space<hbm>> -> memref<1x128xi32, #tpu.memory_space<hbm>>
        %dma_wait3A_288 = tpu.memref_slice %run_scoped3A_19[%rem3A_281] : memref<2x!tpu.dma_semaphore, #tpu.memory_space<semaphore_mem>> -> memref<1x!tpu.dma_semaphore, #tpu.memory_space<semaphore_mem>>
        %dma_wait3A_289 = tpu.memref_squeeze %dma_wait3A_288 : memref<1x!tpu.dma_semaphore, #tpu.memory_space<semaphore_mem>> -> memref<!tpu.dma_semaphore, #tpu.memory_space<semaphore_mem>>
        %dma_wait3A_290 = arith.constant 0 : i32
        %dma_wait3A_291 = arith.constant 0 : i32
        %dma_wait3A_292 = tpu.memref_slice %run_scoped3A[%rem3A_281, %dma_wait3A_290, %dma_wait3A_291] : memref<2x1x128xi32, #tpu.memory_space<vmem>> -> memref<1x1x128xi32, #tpu.memory_space<vmem>>
        %dma_wait3A_293 = tpu.memref_squeeze %dma_wait3A_292 : memref<1x1x128xi32, #tpu.memory_space<vmem>> -> memref<1x128xi32, #tpu.memory_space<vmem>>
        %dma_wait3A_294 = arith.constant 0 : i32
        %dma_wait3A_295 = tpu.memref_slice %arg4[%dma_wait3A_294, %mul3A_279] : memref<1x4096xi32, #tpu.memory_space<hbm>> -> memref<1x128xi32, #tpu.memory_space<hbm>>
        tpu.wait_dma2 semaphore(%dma_wait3A_289 : memref<!tpu.dma_semaphore, #tpu.memory_space<semaphore_mem>>) src(%dma_wait3A_295 : memref<1x128xi32, #tpu.memory_space<hbm>>) dst(%dma_wait3A_293 : memref<1x128xi32, #tpu.memory_space<vmem>>)
        "tpu.trace_stop"() : () -> ()
      } else {
      }
      %ne3A_141 = arith.cmpi ne, %add3A_84, %add3A_94 : i32
      %or3A_142 = arith.constant false
      %or3A_143 = arith.ori %or3A_142, %ne3A_141 : i1
      %or3A_144 = arith.constant false
      %or3A_145 = arith.ori %or3A_143, %or3A_144 : i1
      %or3A_146 = arith.ori %or3A_145, %eq3A_80 : i1
      %convert_element_type3A_147 = arith.extui %or3A_146 : i1 to i32
      %cond3A_148 = arith.constant 0 : i32
      %cond3A_149 = arith.cmpi ne, %convert_element_type3A_147, %cond3A_148 : i32
      scf.if %cond3A_149 {
      } else {
      }
      %rem3A_150 = arith.constant 2 : i32
      %rem3A_151 = arith.remui %scan3A, %rem3A_150 : i32
      %rem3A_152 = arith.constant 2 : i32
      %rem3A_153 = arith.remui %scan3A_75, %rem3A_152 : i32
      %run_scoped3A_154 = arith.constant 0 : i32
      "tpu.trace_start"() <{level = 10 : i32, message = "ep_run_kernel"}> : () -> ()
      "tpu.region"() ({
        %run_scoped3A_278 = tpu.sem_alloc : memref<!tpu.dma_semaphore, #tpu.memory_space<semaphore_mem>>
        %dma_start3A_279 = arith.constant 0 : i32
        %dma_start3A_280 = arith.constant 0 : i32
        %dma_start3A_281 = tpu.memref_slice %run_scoped3A_20[%rem3A_153, %dma_start3A_279, %dma_start3A_280] : memref<2x128x128xf32, #tpu.memory_space<vmem>> -> memref<1x128x128xf32, #tpu.memory_space<vmem>>
        %dma_start3A_282 = tpu.memref_squeeze %dma_start3A_281 : memref<1x128x128xf32, #tpu.memory_space<vmem>> -> memref<128x128xf32, #tpu.memory_space<vmem>>
        %dma_start3A_283 = arith.constant 0 : i32
        %dma_start3A_284 = arith.constant 0 : i32
        %dma_start3A_285 = tpu.memref_slice %run_scoped3A[%rem3A_151, %dma_start3A_283, %dma_start3A_284] : memref<2x1x128xi32, #tpu.memory_space<vmem>> -> memref<1x1x128xi32, #tpu.memory_space<vmem>>
        %dma_start3A_286 = tpu.memref_squeeze %dma_start3A_285 : memref<1x1x128xi32, #tpu.memory_space<vmem>> -> memref<1x128xi32, #tpu.memory_space<vmem>>
        %dma_start3A_287 = arith.constant 0 : i32
        %dma_start3A_288 = tpu.memref_slice %dma_start3A_286[%run_scoped3A_154, %dma_start3A_287] : memref<1x128xi32, #tpu.memory_space<vmem>> -> memref<1x128xi32, #tpu.memory_space<vmem>>
        %dma_start3A_289 = tpu.memref_squeeze %dma_start3A_288 : memref<1x128xi32, #tpu.memory_space<vmem>> -> memref<128xi32, #tpu.memory_space<vmem>>
        %dma_start3A_290 = arith.constant 0 : i32
        %dma_start3A_291 = arith.constant 0 : i32
        %dma_start3A_292 = tpu.memref_slice %arg2[%dma_start3A_290, %dma_start3A_291] : memref<1024x128xf32, #tpu.memory_space<hbm>> -> memref<1024x128xf32, #tpu.memory_space<hbm>>
        tpu.enqueue_indirect_dma source(%dma_start3A_292 : memref<1024x128xf32, #tpu.memory_space<hbm>>) target(%dma_start3A_282 : memref<128x128xf32, #tpu.memory_space<vmem>>) offsets(%dma_start3A_289 : memref<128xi32, #tpu.memory_space<vmem>>) semaphore(%run_scoped3A_278 : memref<!tpu.dma_semaphore, #tpu.memory_space<semaphore_mem>>)
        %dma_wait3A_293 = arith.constant 0 : i32
        %dma_wait3A_294 = arith.constant 0 : i32
        %dma_wait3A_295 = tpu.memref_slice %run_scoped3A_20[%rem3A_153, %dma_wait3A_293, %dma_wait3A_294] : memref<2x128x128xf32, #tpu.memory_space<vmem>> -> memref<1x128x128xf32, #tpu.memory_space<vmem>>
        %dma_wait3A_296 = tpu.memref_squeeze %dma_wait3A_295 : memref<1x128x128xf32, #tpu.memory_space<vmem>> -> memref<128x128xf32, #tpu.memory_space<vmem>>
        %dma_wait3A_297 = arith.constant 0 : i32
        %dma_wait3A_298 = arith.constant 0 : i32
        %dma_wait3A_299 = tpu.memref_slice %run_scoped3A[%rem3A_151, %dma_wait3A_297, %dma_wait3A_298] : memref<2x1x128xi32, #tpu.memory_space<vmem>> -> memref<1x1x128xi32, #tpu.memory_space<vmem>>
        %dma_wait3A_300 = tpu.memref_squeeze %dma_wait3A_299 : memref<1x1x128xi32, #tpu.memory_space<vmem>> -> memref<1x128xi32, #tpu.memory_space<vmem>>
        %dma_wait3A_301 = arith.constant 0 : i32
        %dma_wait3A_302 = tpu.memref_slice %dma_wait3A_300[%run_scoped3A_154, %dma_wait3A_301] : memref<1x128xi32, #tpu.memory_space<vmem>> -> memref<1x128xi32, #tpu.memory_space<vmem>>
        %dma_wait3A_303 = tpu.memref_squeeze %dma_wait3A_302 : memref<1x128xi32, #tpu.memory_space<vmem>> -> memref<128xi32, #tpu.memory_space<vmem>>
        %dma_wait3A_304 = arith.constant 0 : i32
        %dma_wait3A_305 = arith.constant 0 : i32
        %dma_wait3A_306 = tpu.memref_slice %arg2[%dma_wait3A_304, %dma_wait3A_305] : memref<1024x128xf32, #tpu.memory_space<hbm>> -> memref<1024x128xf32, #tpu.memory_space<hbm>>
        tpu.wait_indirect_dma semaphore(%run_scoped3A_278 : memref<!tpu.dma_semaphore, #tpu.memory_space<semaphore_mem>>) src(%dma_wait3A_306 : memref<1024x128xf32, #tpu.memory_space<hbm>>) dst(%dma_wait3A_296 : memref<128x128xf32, #tpu.memory_space<vmem>>)
        tpu.yield
      }) : () -> ()
      "tpu.trace_stop"() : () -> ()
      %ne3A_155 = arith.cmpi ne, %add3A_84, %add3A_104 : i32
      %or3A_156 = arith.constant false
      %or3A_157 = arith.ori %or3A_156, %ne3A_155 : i1
      %or3A_158 = arith.ori %or3A_157, %eq3A_82 : i1
      %convert_element_type3A_159 = arith.extui %or3A_158 : i1 to i32
      %cond3A_160 = arith.constant 0 : i32
      %cond3A_161 = arith.cmpi ne, %convert_element_type3A_159, %cond3A_160 : i32
      scf.if %cond3A_161 {
      } else {
      }
      %and3A_162 = arith.constant false
      %and3A_163 = arith.andi %or3A_158, %and3A_162 : i1
      %ne3A_164 = arith.cmpi ne, %add3A_84, %add3A_104 : i32
      %or3A_165 = arith.constant false
      %or3A_166 = arith.ori %or3A_165, %ne3A_164 : i1
      %or3A_167 = arith.constant false
      %or3A_168 = arith.ori %or3A_166, %or3A_167 : i1
      %or3A_169 = arith.ori %or3A_168, %eq3A_82 : i1
      %convert_element_type3A_170 = arith.extui %or3A_169 : i1 to i32
      %cond3A_171 = arith.constant 0 : i32
      %cond3A_172 = arith.cmpi ne, %convert_element_type3A_170, %cond3A_171 : i32
      scf.if %cond3A_172 {
        "tpu.trace_start"() <{level = 10 : i32, message = "ep_copy_out"}> : () -> ()
        %rem3A_278 = arith.constant 2 : i32
        %rem3A_279 = arith.remui %scan3A_75, %rem3A_278 : i32
        %mul3A_280 = arith.constant 128 : i32
        %mul3A_281 = arith.muli %mul3A_280, %add3A_84 : i32
        %dma_start3A_282 = arith.constant 0 : i32
        %dma_start3A_283 = arith.constant 0 : i32
        %dma_start3A_284 = tpu.memref_slice %run_scoped3A_20[%rem3A_279, %dma_start3A_282, %dma_start3A_283] : memref<2x128x128xf32, #tpu.memory_space<vmem>> -> memref<1x128x128xf32, #tpu.memory_space<vmem>>
        %dma_start3A_285 = tpu.memref_squeeze %dma_start3A_284 : memref<1x128x128xf32, #tpu.memory_space<vmem>> -> memref<128x128xf32, #tpu.memory_space<vmem>>
        %dma_start3A_286 = arith.constant 0 : i32
        %dma_start3A_287 = tpu.memref_slice %arg7[%mul3A_281, %dma_start3A_286] : memref<4096x128xf32, #tpu.memory_space<hbm>> -> memref<128x128xf32, #tpu.memory_space<hbm>>
        %dma_start3A_288 = tpu.memref_slice %run_scoped3A_21[%rem3A_279] : memref<2x!tpu.dma_semaphore, #tpu.memory_space<semaphore_mem>> -> memref<1x!tpu.dma_semaphore, #tpu.memory_space<semaphore_mem>>
        %dma_start3A_289 = tpu.memref_squeeze %dma_start3A_288 : memref<1x!tpu.dma_semaphore, #tpu.memory_space<semaphore_mem>> -> memref<!tpu.dma_semaphore, #tpu.memory_space<semaphore_mem>>
        %dma_start3A_290 = arith.constant 0 : i32
        %dma_start3A_291 = tpu.memref_slice %arg7[%mul3A_281, %dma_start3A_290] : memref<4096x128xf32, #tpu.memory_space<hbm>> -> memref<128x128xf32, #tpu.memory_space<hbm>>
        %dma_start3A_292 = arith.constant 0 : i32
        %dma_start3A_293 = arith.constant 0 : i32
        %dma_start3A_294 = tpu.memref_slice %run_scoped3A_20[%rem3A_279, %dma_start3A_292, %dma_start3A_293] : memref<2x128x128xf32, #tpu.memory_space<vmem>> -> memref<1x128x128xf32, #tpu.memory_space<vmem>>
        %dma_start3A_295 = tpu.memref_squeeze %dma_start3A_294 : memref<1x128x128xf32, #tpu.memory_space<vmem>> -> memref<128x128xf32, #tpu.memory_space<vmem>>
        tpu.enqueue_dma source(%dma_start3A_295 : memref<128x128xf32, #tpu.memory_space<vmem>>) target(%dma_start3A_291 : memref<128x128xf32, #tpu.memory_space<hbm>>) target_semaphore(%dma_start3A_289 : memref<!tpu.dma_semaphore, #tpu.memory_space<semaphore_mem>>)
        "tpu.trace_stop"() : () -> ()
      } else {
      }
      %and3A_173 = arith.constant true
      %and3A_174 = arith.andi %or3A_169, %and3A_173 : i1
      %add3A_175 = arith.constant 1 : i32
      %add3A_176 = arith.addi %scan3A_75, %add3A_175 : i32
      %select_n3A_177 = arith.select %and3A_174, %add3A_176, %scan3A_75 : i32
      %ne3A_178 = arith.cmpi ne, %add3A_84, %add3A_94 : i32
      %or3A_179 = arith.constant false
      %or3A_180 = arith.ori %or3A_179, %ne3A_178 : i1
      %not3A_181 = arith.constant true
      %not3A_182 = arith.xori %eq3A_80, %not3A_181 : i1
      %and3A_183 = arith.andi %or3A_180, %not3A_182 : i1
      %convert_element_type3A_184 = arith.extui %and3A_183 : i1 to i32
      %cond3A_185 = arith.constant 0 : i32
      %cond3A_186 = arith.cmpi ne, %convert_element_type3A_184, %cond3A_185 : i32
      scf.if %cond3A_186 {
      } else {
      }
      %and3A_187 = arith.constant false
      %and3A_188 = arith.andi %and3A_183, %and3A_187 : i1
      %ne3A_189 = arith.cmpi ne, %add3A_84, %add3A_94 : i32
      %or3A_190 = arith.constant false
      %or3A_191 = arith.ori %or3A_190, %ne3A_189 : i1
      %or3A_192 = arith.constant false
      %or3A_193 = arith.ori %or3A_191, %or3A_192 : i1
      %not3A_194 = arith.constant true
      %not3A_195 = arith.xori %eq3A_80, %not3A_194 : i1
      %and3A_196 = arith.andi %or3A_193, %not3A_195 : i1
      %convert_element_type3A_197 = arith.extui %and3A_196 : i1 to i32
      %cond3A_198 = arith.constant 0 : i32
      %cond3A_199 = arith.cmpi ne, %convert_element_type3A_197, %cond3A_198 : i32
      scf.if %cond3A_199 {
        "tpu.trace_start"() <{level = 10 : i32, message = "ep_wait_out"}> : () -> ()
        %rem3A_278 = arith.constant 2 : i32
        %rem3A_279 = arith.remui %scan3A_76, %rem3A_278 : i32
        %mul3A_280 = arith.constant 128 : i32
        %mul3A_281 = arith.muli %mul3A_280, %add3A_94 : i32
        %dma_wait3A_282 = arith.constant 0 : i32
        %dma_wait3A_283 = arith.constant 0 : i32
        %dma_wait3A_284 = tpu.memref_slice %run_scoped3A_20[%rem3A_279, %dma_wait3A_282, %dma_wait3A_283] : memref<2x128x128xf32, #tpu.memory_space<vmem>> -> memref<1x128x128xf32, #tpu.memory_space<vmem>>
        %dma_wait3A_285 = tpu.memref_squeeze %dma_wait3A_284 : memref<1x128x128xf32, #tpu.memory_space<vmem>> -> memref<128x128xf32, #tpu.memory_space<vmem>>
        %dma_wait3A_286 = arith.constant 0 : i32
        %dma_wait3A_287 = tpu.memref_slice %arg7[%mul3A_281, %dma_wait3A_286] : memref<4096x128xf32, #tpu.memory_space<hbm>> -> memref<128x128xf32, #tpu.memory_space<hbm>>
        %dma_wait3A_288 = tpu.memref_slice %run_scoped3A_21[%rem3A_279] : memref<2x!tpu.dma_semaphore, #tpu.memory_space<semaphore_mem>> -> memref<1x!tpu.dma_semaphore, #tpu.memory_space<semaphore_mem>>
        %dma_wait3A_289 = tpu.memref_squeeze %dma_wait3A_288 : memref<1x!tpu.dma_semaphore, #tpu.memory_space<semaphore_mem>> -> memref<!tpu.dma_semaphore, #tpu.memory_space<semaphore_mem>>
        %dma_wait3A_290 = arith.constant 0 : i32
        %dma_wait3A_291 = tpu.memref_slice %arg7[%mul3A_281, %dma_wait3A_290] : memref<4096x128xf32, #tpu.memory_space<hbm>> -> memref<128x128xf32, #tpu.memory_space<hbm>>
        %dma_wait3A_292 = arith.constant 0 : i32
        %dma_wait3A_293 = arith.constant 0 : i32
        %dma_wait3A_294 = tpu.memref_slice %run_scoped3A_20[%rem3A_279, %dma_wait3A_292, %dma_wait3A_293] : memref<2x128x128xf32, #tpu.memory_space<vmem>> -> memref<1x128x128xf32, #tpu.memory_space<vmem>>
        %dma_wait3A_295 = tpu.memref_squeeze %dma_wait3A_294 : memref<1x128x128xf32, #tpu.memory_space<vmem>> -> memref<128x128xf32, #tpu.memory_space<vmem>>
        tpu.wait_dma2 semaphore(%dma_wait3A_289 : memref<!tpu.dma_semaphore, #tpu.memory_space<semaphore_mem>>) src(%dma_wait3A_295 : memref<128x128xf32, #tpu.memory_space<vmem>>) dst(%dma_wait3A_291 : memref<128x128xf32, #tpu.memory_space<hbm>>)
        "tpu.trace_stop"() : () -> ()
      } else {
      }
      %and3A_200 = arith.constant true
      %and3A_201 = arith.andi %and3A_196, %and3A_200 : i1
      %add3A_202 = arith.constant 1 : i32
      %add3A_203 = arith.addi %scan3A_76, %add3A_202 : i32
      %select_n3A_204 = arith.select %and3A_201, %add3A_203, %scan3A_76 : i32
      %ne3A_205 = arith.cmpi ne, %add3A_84, %add3A_104 : i32
      %or3A_206 = arith.constant false
      %or3A_207 = arith.ori %or3A_206, %ne3A_205 : i1
      %or3A_208 = arith.ori %or3A_207, %eq3A_82 : i1
      %add3A_209 = arith.constant 1 : i32
      %add3A_210 = arith.addi %scan3A, %add3A_209 : i32
      %select_n3A_211 = arith.select %or3A_208, %add3A_210, %scan3A : i32
      %select_n3A_212 = arith.constant true
      %select_n3A_213 = arith.constant 0 : i32
      %select_n3A_214 = arith.constant 1 : i32
      %select_n3A_215 = arith.select %select_n3A_212, %select_n3A_214, %select_n3A_213 : i32
      %eq3A_216 = arith.constant 1 : i32
      %eq3A_217 = arith.cmpi eq, %select_n3A_215, %eq3A_216 : i32
      %select_n3A_218 = arith.constant 0 : i32
      %select_n3A_219 = arith.select %eq3A_217, %select_n3A_218, %select_n3A_215 : i32
      %scan3A_220 = arith.constant 0 : i32
      %scan3A_221 = arith.constant 1 : i32
      %sub3A = arith.constant 1 : i32
      %sub3A_222 = arith.subi %scan3A_220, %sub3A : i32
      %select_n3A_223 = arith.constant true
      %select_n3A_224 = arith.select %select_n3A_223, %sub3A_222, %scan3A_220 : i32
      %eq3A_225 = arith.constant -1 : i32
      %eq3A_226 = arith.cmpi eq, %select_n3A_224, %eq3A_225 : i32
      %select_n3A_227 = arith.constant 0 : i32
      %select_n3A_228 = arith.select %eq3A_226, %select_n3A_227, %select_n3A_224 : i32
      %add3A_229 = arith.constant 0 : i32
      %add3A_230 = arith.addi %add3A_229, %mul3A_8 : i32
      %select_n3A_231 = arith.constant true
      %select_n3A_232 = arith.constant 0 : i32
      %select_n3A_233 = arith.constant -1 : i32
      %select_n3A_234 = arith.select %select_n3A_231, %select_n3A_233, %select_n3A_232 : i32
      %eq3A_235 = arith.constant -1 : i32
      %eq3A_236 = arith.cmpi eq, %select_n3A_234, %eq3A_235 : i32
      %select_n3A_237 = arith.constant 0 : i32
      %select_n3A_238 = arith.select %eq3A_236, %select_n3A_237, %select_n3A_234 : i32
      %add3A_239 = arith.constant 0 : i32
      %add3A_240 = arith.addi %add3A_239, %mul3A_8 : i32
      %select_n3A_241 = arith.constant true
      %select_n3A_242 = arith.constant 0 : i32
      %select_n3A_243 = arith.constant 1 : i32
      %select_n3A_244 = arith.select %select_n3A_241, %select_n3A_243, %select_n3A_242 : i32
      %eq3A_245 = arith.constant 1 : i32
      %eq3A_246 = arith.cmpi eq, %select_n3A_244, %eq3A_245 : i32
      %select_n3A_247 = arith.constant 0 : i32
      %select_n3A_248 = arith.select %eq3A_246, %select_n3A_247, %select_n3A_244 : i32
      %add3A_249 = arith.constant 0 : i32
      %add3A_250 = arith.addi %add3A_249, %mul3A_8 : i32
      %select_n3A_251 = arith.constant true
      %select_n3A_252 = arith.constant 0 : i32
      %select_n3A_253 = arith.constant 1 : i32
      %select_n3A_254 = arith.select %select_n3A_251, %select_n3A_253, %select_n3A_252 : i32
      %eq3A_255 = arith.constant 1 : i32
      %eq3A_256 = arith.cmpi eq, %select_n3A_254, %eq3A_255 : i32
      %select_n3A_257 = arith.constant 0 : i32
      %select_n3A_258 = arith.select %eq3A_256, %select_n3A_257, %select_n3A_254 : i32
      %add3A_259 = arith.constant 0 : i32
      %add3A_260 = arith.addi %add3A_259, %mul3A_8 : i32
      "tpu.trace_start"() <{level = 10 : i32, message = "ep_finalize"}> : () -> ()
      %rem3A_261 = arith.constant 2 : i32
      %rem3A_262 = arith.remui %select_n3A_204, %rem3A_261 : i32
      %mul3A_263 = arith.constant 128 : i32
      %mul3A_264 = arith.muli %mul3A_263, %add3A_230 : i32
      %dma_wait3A = arith.constant 0 : i32
      %dma_wait3A_265 = arith.constant 0 : i32
      %dma_wait3A_266 = tpu.memref_slice %run_scoped3A_20[%rem3A_262, %dma_wait3A, %dma_wait3A_265] : memref<2x128x128xf32, #tpu.memory_space<vmem>> -> memref<1x128x128xf32, #tpu.memory_space<vmem>>
      %dma_wait3A_267 = tpu.memref_squeeze %dma_wait3A_266 : memref<1x128x128xf32, #tpu.memory_space<vmem>> -> memref<128x128xf32, #tpu.memory_space<vmem>>
      %dma_wait3A_268 = arith.constant 0 : i32
      %dma_wait3A_269 = tpu.memref_slice %arg7[%mul3A_264, %dma_wait3A_268] : memref<4096x128xf32, #tpu.memory_space<hbm>> -> memref<128x128xf32, #tpu.memory_space<hbm>>
      %dma_wait3A_270 = tpu.memref_slice %run_scoped3A_21[%rem3A_262] : memref<2x!tpu.dma_semaphore, #tpu.memory_space<semaphore_mem>> -> memref<1x!tpu.dma_semaphore, #tpu.memory_space<semaphore_mem>>
      %dma_wait3A_271 = tpu.memref_squeeze %dma_wait3A_270 : memref<1x!tpu.dma_semaphore, #tpu.memory_space<semaphore_mem>> -> memref<!tpu.dma_semaphore, #tpu.memory_space<semaphore_mem>>
      %dma_wait3A_272 = arith.constant 0 : i32
      %dma_wait3A_273 = tpu.memref_slice %arg7[%mul3A_264, %dma_wait3A_272] : memref<4096x128xf32, #tpu.memory_space<hbm>> -> memref<128x128xf32, #tpu.memory_space<hbm>>
      %dma_wait3A_274 = arith.constant 0 : i32
      %dma_wait3A_275 = arith.constant 0 : i32
      %dma_wait3A_276 = tpu.memref_slice %run_scoped3A_20[%rem3A_262, %dma_wait3A_274, %dma_wait3A_275] : memref<2x128x128xf32, #tpu.memory_space<vmem>> -> memref<1x128x128xf32, #tpu.memory_space<vmem>>
      %dma_wait3A_277 = tpu.memref_squeeze %dma_wait3A_276 : memref<1x128x128xf32, #tpu.memory_space<vmem>> -> memref<128x128xf32, #tpu.memory_space<vmem>>
      tpu.wait_dma2 semaphore(%dma_wait3A_271 : memref<!tpu.dma_semaphore, #tpu.memory_space<semaphore_mem>>) src(%dma_wait3A_277 : memref<128x128xf32, #tpu.memory_space<vmem>>) dst(%dma_wait3A_273 : memref<128x128xf32, #tpu.memory_space<hbm>>)
      "tpu.trace_stop"() : () -> ()
      tpu.yield
    }) : () -> ()
    %mul3A_9 = arith.constant 1 : i32
    %mul3A_10 = arith.muli %arg1, %mul3A_9 : i32
    %add3A_11 = arith.constant 0 : i32
    %add3A_12 = arith.addi %add3A_11, %mul3A_10 : i32
    %mul3A_13 = arith.constant 16 : i32
    %mul3A_14 = arith.muli %arg0, %mul3A_13 : i32
    %add3A_15 = arith.addi %add3A_12, %mul3A_14 : i32
    %mul3A_16 = arith.constant 1 : i32
    %mul3A_17 = arith.muli %add3A_15, %mul3A_16 : i32
    "tpu.region"() ({
      %run_scoped3A = memref.alloca() : memref<2x128x128xf32, #tpu.memory_space<vmem>>
      %run_scoped3A_19 = tpu.sem_alloc : memref<2x!tpu.dma_semaphore, #tpu.memory_space<semaphore_mem>>
      %run_scoped3A_20 = memref.alloca() : memref<2x1x128xi32, #tpu.memory_space<vmem>>
      %run_scoped3A_21 = tpu.sem_alloc : memref<2x!tpu.dma_semaphore, #tpu.memory_space<semaphore_mem>>
      %add3A_22 = arith.constant 0 : i32
      %add3A_23 = arith.addi %add3A_22, %mul3A_17 : i32
      %select_n3A = arith.constant true
      %select_n3A_24 = arith.constant 0 : i32
      %select_n3A_25 = arith.constant -1 : i32
      %select_n3A_26 = arith.select %select_n3A, %select_n3A_25, %select_n3A_24 : i32
      %eq3A = arith.constant -1 : i32
      %eq3A_27 = arith.cmpi eq, %select_n3A_26, %eq3A : i32
      %select_n3A_28 = arith.constant 0 : i32
      %select_n3A_29 = arith.select %eq3A_27, %select_n3A_28, %select_n3A_26 : i32
      %add3A_30 = arith.constant 0 : i32
      %add3A_31 = arith.addi %add3A_30, %mul3A_17 : i32
      %select_n3A_32 = arith.constant true
      %select_n3A_33 = arith.constant 0 : i32
      %select_n3A_34 = arith.constant 1 : i32
      %select_n3A_35 = arith.select %select_n3A_32, %select_n3A_34, %select_n3A_33 : i32
      %eq3A_36 = arith.constant 1 : i32
      %eq3A_37 = arith.cmpi eq, %select_n3A_35, %eq3A_36 : i32
      %select_n3A_38 = arith.constant 0 : i32
      %select_n3A_39 = arith.select %eq3A_37, %select_n3A_38, %select_n3A_35 : i32
      %add3A_40 = arith.constant 0 : i32
      %add3A_41 = arith.addi %add3A_40, %mul3A_17 : i32
      %select_n3A_42 = arith.constant true
      %select_n3A_43 = arith.constant 0 : i32
      %select_n3A_44 = arith.constant 1 : i32
      %select_n3A_45 = arith.select %select_n3A_42, %select_n3A_44, %select_n3A_43 : i32
      %eq3A_46 = arith.constant 1 : i32
      %eq3A_47 = arith.cmpi eq, %select_n3A_45, %eq3A_46 : i32
      %select_n3A_48 = arith.constant 0 : i32
      %select_n3A_49 = arith.select %eq3A_47, %select_n3A_48, %select_n3A_45 : i32
      %add3A_50 = arith.constant 0 : i32
      %add3A_51 = arith.addi %add3A_50, %mul3A_17 : i32
      "tpu.trace_start"() <{level = 10 : i32, message = "ep_initialize_0"}> : () -> ()
      %rem3A = arith.constant 0 : i32
      %rem3A_52 = arith.constant 2 : i32
      %rem3A_53 = arith.remui %rem3A, %rem3A_52 : i32
      %mul3A_54 = arith.constant 128 : i32
      %mul3A_55 = arith.muli %mul3A_54, %add3A_23 : i32
      %dma_start3A = arith.constant 0 : i32
      %dma_start3A_56 = arith.constant 0 : i32
      %dma_start3A_57 = tpu.memref_slice %run_scoped3A[%rem3A_53, %dma_start3A, %dma_start3A_56] : memref<2x128x128xf32, #tpu.memory_space<vmem>> -> memref<1x128x128xf32, #tpu.memory_space<vmem>>
      %dma_start3A_58 = tpu.memref_squeeze %dma_start3A_57 : memref<1x128x128xf32, #tpu.memory_space<vmem>> -> memref<128x128xf32, #tpu.memory_space<vmem>>
      %dma_start3A_59 = arith.constant 0 : i32
      %dma_start3A_60 = tpu.memref_slice %arg3[%mul3A_55, %dma_start3A_59] : memref<4096x128xf32, #tpu.memory_space<hbm>> -> memref<128x128xf32, #tpu.memory_space<hbm>>
      %dma_start3A_61 = tpu.memref_slice %run_scoped3A_19[%rem3A_53] : memref<2x!tpu.dma_semaphore, #tpu.memory_space<semaphore_mem>> -> memref<1x!tpu.dma_semaphore, #tpu.memory_space<semaphore_mem>>
      %dma_start3A_62 = tpu.memref_squeeze %dma_start3A_61 : memref<1x!tpu.dma_semaphore, #tpu.memory_space<semaphore_mem>> -> memref<!tpu.dma_semaphore, #tpu.memory_space<semaphore_mem>>
      %dma_start3A_63 = arith.constant 0 : i32
      %dma_start3A_64 = arith.constant 0 : i32
      %dma_start3A_65 = tpu.memref_slice %run_scoped3A[%rem3A_53, %dma_start3A_63, %dma_start3A_64] : memref<2x128x128xf32, #tpu.memory_space<vmem>> -> memref<1x128x128xf32, #tpu.memory_space<vmem>>
      %dma_start3A_66 = tpu.memref_squeeze %dma_start3A_65 : memref<1x128x128xf32, #tpu.memory_space<vmem>> -> memref<128x128xf32, #tpu.memory_space<vmem>>
      %dma_start3A_67 = arith.constant 0 : i32
      %dma_start3A_68 = tpu.memref_slice %arg3[%mul3A_55, %dma_start3A_67] : memref<4096x128xf32, #tpu.memory_space<hbm>> -> memref<128x128xf32, #tpu.memory_space<hbm>>
      tpu.enqueue_dma source(%dma_start3A_68 : memref<128x128xf32, #tpu.memory_space<hbm>>) target(%dma_start3A_66 : memref<128x128xf32, #tpu.memory_space<vmem>>) target_semaphore(%dma_start3A_62 : memref<!tpu.dma_semaphore, #tpu.memory_space<semaphore_mem>>)
      %add3A_69 = arith.constant 0 : i32
      %add3A_70 = arith.constant 1 : i32
      %add3A_71 = arith.addi %add3A_69, %add3A_70 : i32
      %select_n3A_72 = arith.constant true
      %select_n3A_73 = arith.constant 0 : i32
      %select_n3A_74 = arith.select %select_n3A_72, %add3A_71, %select_n3A_73 : i32
      %rem3A_75 = arith.constant 0 : i32
      %rem3A_76 = arith.constant 2 : i32
      %rem3A_77 = arith.remui %rem3A_75, %rem3A_76 : i32
      %mul3A_78 = arith.constant 128 : i32
      %mul3A_79 = arith.muli %mul3A_78, %add3A_23 : i32
      %dma_start3A_80 = arith.constant 0 : i32
      %dma_start3A_81 = arith.constant 0 : i32
      %dma_start3A_82 = tpu.memref_slice %run_scoped3A_20[%rem3A_77, %dma_start3A_80, %dma_start3A_81] : memref<2x1x128xi32, #tpu.memory_space<vmem>> -> memref<1x1x128xi32, #tpu.memory_space<vmem>>
      %dma_start3A_83 = tpu.memref_squeeze %dma_start3A_82 : memref<1x1x128xi32, #tpu.memory_space<vmem>> -> memref<1x128xi32, #tpu.memory_space<vmem>>
      %dma_start3A_84 = arith.constant 0 : i32
      %dma_start3A_85 = tpu.memref_slice %arg5[%dma_start3A_84, %mul3A_79] : memref<1x4096xi32, #tpu.memory_space<hbm>> -> memref<1x128xi32, #tpu.memory_space<hbm>>
      %dma_start3A_86 = tpu.memref_slice %run_scoped3A_21[%rem3A_77] : memref<2x!tpu.dma_semaphore, #tpu.memory_space<semaphore_mem>> -> memref<1x!tpu.dma_semaphore, #tpu.memory_space<semaphore_mem>>
      %dma_start3A_87 = tpu.memref_squeeze %dma_start3A_86 : memref<1x!tpu.dma_semaphore, #tpu.memory_space<semaphore_mem>> -> memref<!tpu.dma_semaphore, #tpu.memory_space<semaphore_mem>>
      %dma_start3A_88 = arith.constant 0 : i32
      %dma_start3A_89 = arith.constant 0 : i32
      %dma_start3A_90 = tpu.memref_slice %run_scoped3A_20[%rem3A_77, %dma_start3A_88, %dma_start3A_89] : memref<2x1x128xi32, #tpu.memory_space<vmem>> -> memref<1x1x128xi32, #tpu.memory_space<vmem>>
      %dma_start3A_91 = tpu.memref_squeeze %dma_start3A_90 : memref<1x1x128xi32, #tpu.memory_space<vmem>> -> memref<1x128xi32, #tpu.memory_space<vmem>>
      %dma_start3A_92 = arith.constant 0 : i32
      %dma_start3A_93 = tpu.memref_slice %arg5[%dma_start3A_92, %mul3A_79] : memref<1x4096xi32, #tpu.memory_space<hbm>> -> memref<1x128xi32, #tpu.memory_space<hbm>>
      tpu.enqueue_dma source(%dma_start3A_93 : memref<1x128xi32, #tpu.memory_space<hbm>>) target(%dma_start3A_91 : memref<1x128xi32, #tpu.memory_space<vmem>>) target_semaphore(%dma_start3A_87 : memref<!tpu.dma_semaphore, #tpu.memory_space<semaphore_mem>>)
      %add3A_94 = arith.constant 0 : i32
      %add3A_95 = arith.constant 1 : i32
      %add3A_96 = arith.addi %add3A_94, %add3A_95 : i32
      %select_n3A_97 = arith.constant true
      %select_n3A_98 = arith.constant 0 : i32
      %select_n3A_99 = arith.select %select_n3A_97, %add3A_96, %select_n3A_98 : i32
      "tpu.trace_stop"() : () -> ()
      %scan3A = arith.constant 0 : i32
      %scan3A_100 = arith.constant 0 : i32
      %scan3A_101 = arith.constant 0 : i32
      %scan3A_102 = arith.constant 0 : i32
      %eq3A_103 = arith.constant 0 : i32
      %eq3A_104 = arith.cmpi eq, %scan3A_102, %eq3A_103 : i32
      %eq3A_105 = arith.constant 0 : i32
      %eq3A_106 = arith.cmpi eq, %scan3A_102, %eq3A_105 : i32
      %add3A_107 = arith.constant 0 : i32
      %add3A_108 = arith.addi %add3A_107, %mul3A_17 : i32
      %select_n3A_109 = arith.constant true
      %select_n3A_110 = arith.constant 0 : i32
      %select_n3A_111 = arith.constant -1 : i32
      %select_n3A_112 = arith.select %select_n3A_109, %select_n3A_111, %select_n3A_110 : i32
      %eq3A_113 = arith.constant -1 : i32
      %eq3A_114 = arith.cmpi eq, %select_n3A_112, %eq3A_113 : i32
      %select_n3A_115 = arith.constant 0 : i32
      %select_n3A_116 = arith.select %eq3A_114, %select_n3A_115, %select_n3A_112 : i32
      %add3A_117 = arith.constant 0 : i32
      %add3A_118 = arith.addi %add3A_117, %mul3A_17 : i32
      %select_n3A_119 = arith.constant true
      %select_n3A_120 = arith.constant 0 : i32
      %select_n3A_121 = arith.constant 1 : i32
      %select_n3A_122 = arith.select %select_n3A_119, %select_n3A_121, %select_n3A_120 : i32
      %eq3A_123 = arith.constant 1 : i32
      %eq3A_124 = arith.cmpi eq, %select_n3A_122, %eq3A_123 : i32
      %select_n3A_125 = arith.constant 0 : i32
      %select_n3A_126 = arith.select %eq3A_124, %select_n3A_125, %select_n3A_122 : i32
      %add3A_127 = arith.constant 0 : i32
      %add3A_128 = arith.addi %add3A_127, %mul3A_17 : i32
      %select_n3A_129 = arith.constant true
      %select_n3A_130 = arith.constant 0 : i32
      %select_n3A_131 = arith.constant 1 : i32
      %select_n3A_132 = arith.select %select_n3A_129, %select_n3A_131, %select_n3A_130 : i32
      %eq3A_133 = arith.constant 1 : i32
      %eq3A_134 = arith.cmpi eq, %select_n3A_132, %eq3A_133 : i32
      %select_n3A_135 = arith.constant 0 : i32
      %select_n3A_136 = arith.select %eq3A_134, %select_n3A_135, %select_n3A_132 : i32
      %add3A_137 = arith.constant 0 : i32
      %add3A_138 = arith.addi %add3A_137, %mul3A_17 : i32
      %ne3A = arith.cmpi ne, %add3A_108, %add3A_128 : i32
      %or3A = arith.constant false
      %or3A_139 = arith.ori %or3A, %ne3A : i1
      %or3A_140 = arith.constant false
      %or3A_141 = arith.ori %or3A_139, %or3A_140 : i1
      %ge3A = arith.constant 0 : i32
      %ge3A_142 = arith.cmpi sge, %scan3A_102, %ge3A : i32
      %not3A = arith.constant true
      %not3A_143 = arith.xori %ge3A_142, %not3A : i1
      %and3A = arith.andi %or3A_141, %not3A_143 : i1
      %convert_element_type3A = arith.extui %and3A : i1 to i32
      %cond3A = arith.constant 0 : i32
      %cond3A_144 = arith.cmpi ne, %convert_element_type3A, %cond3A : i32
      scf.if %cond3A_144 {
        "tpu.trace_start"() <{level = 10 : i32, message = "ep_copy_in"}> : () -> ()
        %rem3A_296 = arith.constant 2 : i32
        %rem3A_297 = arith.remui %select_n3A_74, %rem3A_296 : i32
        %mul3A_298 = arith.constant 128 : i32
        %mul3A_299 = arith.muli %mul3A_298, %add3A_128 : i32
        %dma_start3A_300 = arith.constant 0 : i32
        %dma_start3A_301 = arith.constant 0 : i32
        %dma_start3A_302 = tpu.memref_slice %run_scoped3A[%rem3A_297, %dma_start3A_300, %dma_start3A_301] : memref<2x128x128xf32, #tpu.memory_space<vmem>> -> memref<1x128x128xf32, #tpu.memory_space<vmem>>
        %dma_start3A_303 = tpu.memref_squeeze %dma_start3A_302 : memref<1x128x128xf32, #tpu.memory_space<vmem>> -> memref<128x128xf32, #tpu.memory_space<vmem>>
        %dma_start3A_304 = arith.constant 0 : i32
        %dma_start3A_305 = tpu.memref_slice %arg3[%mul3A_299, %dma_start3A_304] : memref<4096x128xf32, #tpu.memory_space<hbm>> -> memref<128x128xf32, #tpu.memory_space<hbm>>
        %dma_start3A_306 = tpu.memref_slice %run_scoped3A_19[%rem3A_297] : memref<2x!tpu.dma_semaphore, #tpu.memory_space<semaphore_mem>> -> memref<1x!tpu.dma_semaphore, #tpu.memory_space<semaphore_mem>>
        %dma_start3A_307 = tpu.memref_squeeze %dma_start3A_306 : memref<1x!tpu.dma_semaphore, #tpu.memory_space<semaphore_mem>> -> memref<!tpu.dma_semaphore, #tpu.memory_space<semaphore_mem>>
        %dma_start3A_308 = arith.constant 0 : i32
        %dma_start3A_309 = arith.constant 0 : i32
        %dma_start3A_310 = tpu.memref_slice %run_scoped3A[%rem3A_297, %dma_start3A_308, %dma_start3A_309] : memref<2x128x128xf32, #tpu.memory_space<vmem>> -> memref<1x128x128xf32, #tpu.memory_space<vmem>>
        %dma_start3A_311 = tpu.memref_squeeze %dma_start3A_310 : memref<1x128x128xf32, #tpu.memory_space<vmem>> -> memref<128x128xf32, #tpu.memory_space<vmem>>
        %dma_start3A_312 = arith.constant 0 : i32
        %dma_start3A_313 = tpu.memref_slice %arg3[%mul3A_299, %dma_start3A_312] : memref<4096x128xf32, #tpu.memory_space<hbm>> -> memref<128x128xf32, #tpu.memory_space<hbm>>
        tpu.enqueue_dma source(%dma_start3A_313 : memref<128x128xf32, #tpu.memory_space<hbm>>) target(%dma_start3A_311 : memref<128x128xf32, #tpu.memory_space<vmem>>) target_semaphore(%dma_start3A_307 : memref<!tpu.dma_semaphore, #tpu.memory_space<semaphore_mem>>)
        "tpu.trace_stop"() : () -> ()
      } else {
      }
      %and3A_145 = arith.constant true
      %and3A_146 = arith.andi %and3A, %and3A_145 : i1
      %add3A_147 = arith.constant 1 : i32
      %add3A_148 = arith.addi %select_n3A_74, %add3A_147 : i32
      %select_n3A_149 = arith.select %and3A_146, %add3A_148, %select_n3A_74 : i32
      %ne3A_150 = arith.cmpi ne, %add3A_108, %add3A_128 : i32
      %or3A_151 = arith.constant false
      %or3A_152 = arith.ori %or3A_151, %ne3A_150 : i1
      %ge3A_153 = arith.constant 0 : i32
      %ge3A_154 = arith.cmpi sge, %scan3A_102, %ge3A_153 : i32
      %not3A_155 = arith.constant true
      %not3A_156 = arith.xori %ge3A_154, %not3A_155 : i1
      %and3A_157 = arith.andi %or3A_152, %not3A_156 : i1
      %convert_element_type3A_158 = arith.extui %and3A_157 : i1 to i32
      %cond3A_159 = arith.constant 0 : i32
      %cond3A_160 = arith.cmpi ne, %convert_element_type3A_158, %cond3A_159 : i32
      scf.if %cond3A_160 {
        "tpu.trace_start"() <{level = 10 : i32, message = "ep_copy_in"}> : () -> ()
        %rem3A_296 = arith.constant 2 : i32
        %rem3A_297 = arith.remui %select_n3A_99, %rem3A_296 : i32
        %mul3A_298 = arith.constant 128 : i32
        %mul3A_299 = arith.muli %mul3A_298, %add3A_128 : i32
        %dma_start3A_300 = arith.constant 0 : i32
        %dma_start3A_301 = arith.constant 0 : i32
        %dma_start3A_302 = tpu.memref_slice %run_scoped3A_20[%rem3A_297, %dma_start3A_300, %dma_start3A_301] : memref<2x1x128xi32, #tpu.memory_space<vmem>> -> memref<1x1x128xi32, #tpu.memory_space<vmem>>
        %dma_start3A_303 = tpu.memref_squeeze %dma_start3A_302 : memref<1x1x128xi32, #tpu.memory_space<vmem>> -> memref<1x128xi32, #tpu.memory_space<vmem>>
        %dma_start3A_304 = arith.constant 0 : i32
        %dma_start3A_305 = tpu.memref_slice %arg5[%dma_start3A_304, %mul3A_299] : memref<1x4096xi32, #tpu.memory_space<hbm>> -> memref<1x128xi32, #tpu.memory_space<hbm>>
        %dma_start3A_306 = tpu.memref_slice %run_scoped3A_21[%rem3A_297] : memref<2x!tpu.dma_semaphore, #tpu.memory_space<semaphore_mem>> -> memref<1x!tpu.dma_semaphore, #tpu.memory_space<semaphore_mem>>
        %dma_start3A_307 = tpu.memref_squeeze %dma_start3A_306 : memref<1x!tpu.dma_semaphore, #tpu.memory_space<semaphore_mem>> -> memref<!tpu.dma_semaphore, #tpu.memory_space<semaphore_mem>>
        %dma_start3A_308 = arith.constant 0 : i32
        %dma_start3A_309 = arith.constant 0 : i32
        %dma_start3A_310 = tpu.memref_slice %run_scoped3A_20[%rem3A_297, %dma_start3A_308, %dma_start3A_309] : memref<2x1x128xi32, #tpu.memory_space<vmem>> -> memref<1x1x128xi32, #tpu.memory_space<vmem>>
        %dma_start3A_311 = tpu.memref_squeeze %dma_start3A_310 : memref<1x1x128xi32, #tpu.memory_space<vmem>> -> memref<1x128xi32, #tpu.memory_space<vmem>>
        %dma_start3A_312 = arith.constant 0 : i32
        %dma_start3A_313 = tpu.memref_slice %arg5[%dma_start3A_312, %mul3A_299] : memref<1x4096xi32, #tpu.memory_space<hbm>> -> memref<1x128xi32, #tpu.memory_space<hbm>>
        tpu.enqueue_dma source(%dma_start3A_313 : memref<1x128xi32, #tpu.memory_space<hbm>>) target(%dma_start3A_311 : memref<1x128xi32, #tpu.memory_space<vmem>>) target_semaphore(%dma_start3A_307 : memref<!tpu.dma_semaphore, #tpu.memory_space<semaphore_mem>>)
        "tpu.trace_stop"() : () -> ()
      } else {
      }
      %and3A_161 = arith.constant true
      %and3A_162 = arith.andi %and3A_157, %and3A_161 : i1
      %add3A_163 = arith.constant 1 : i32
      %add3A_164 = arith.addi %select_n3A_99, %add3A_163 : i32
      %select_n3A_165 = arith.select %and3A_162, %add3A_164, %select_n3A_99 : i32
      %ne3A_166 = arith.cmpi ne, %add3A_108, %add3A_118 : i32
      %or3A_167 = arith.constant false
      %or3A_168 = arith.ori %or3A_167, %ne3A_166 : i1
      %or3A_169 = arith.constant false
      %or3A_170 = arith.ori %or3A_168, %or3A_169 : i1
      %or3A_171 = arith.ori %or3A_170, %eq3A_104 : i1
      %convert_element_type3A_172 = arith.extui %or3A_171 : i1 to i32
      %cond3A_173 = arith.constant 0 : i32
      %cond3A_174 = arith.cmpi ne, %convert_element_type3A_172, %cond3A_173 : i32
      scf.if %cond3A_174 {
        "tpu.trace_start"() <{level = 10 : i32, message = "ep_wait_in"}> : () -> ()
        %mul3A_296 = arith.constant 128 : i32
        %mul3A_297 = arith.muli %mul3A_296, %add3A_108 : i32
        %rem3A_298 = arith.constant 2 : i32
        %rem3A_299 = arith.remui %scan3A, %rem3A_298 : i32
        %dma_wait3A = arith.constant 0 : i32
        %dma_wait3A_300 = arith.constant 0 : i32
        %dma_wait3A_301 = tpu.memref_slice %run_scoped3A[%rem3A_299, %dma_wait3A, %dma_wait3A_300] : memref<2x128x128xf32, #tpu.memory_space<vmem>> -> memref<1x128x128xf32, #tpu.memory_space<vmem>>
        %dma_wait3A_302 = tpu.memref_squeeze %dma_wait3A_301 : memref<1x128x128xf32, #tpu.memory_space<vmem>> -> memref<128x128xf32, #tpu.memory_space<vmem>>
        %dma_wait3A_303 = arith.constant 0 : i32
        %dma_wait3A_304 = tpu.memref_slice %arg3[%mul3A_297, %dma_wait3A_303] : memref<4096x128xf32, #tpu.memory_space<hbm>> -> memref<128x128xf32, #tpu.memory_space<hbm>>
        %dma_wait3A_305 = tpu.memref_slice %run_scoped3A_19[%rem3A_299] : memref<2x!tpu.dma_semaphore, #tpu.memory_space<semaphore_mem>> -> memref<1x!tpu.dma_semaphore, #tpu.memory_space<semaphore_mem>>
        %dma_wait3A_306 = tpu.memref_squeeze %dma_wait3A_305 : memref<1x!tpu.dma_semaphore, #tpu.memory_space<semaphore_mem>> -> memref<!tpu.dma_semaphore, #tpu.memory_space<semaphore_mem>>
        %dma_wait3A_307 = arith.constant 0 : i32
        %dma_wait3A_308 = arith.constant 0 : i32
        %dma_wait3A_309 = tpu.memref_slice %run_scoped3A[%rem3A_299, %dma_wait3A_307, %dma_wait3A_308] : memref<2x128x128xf32, #tpu.memory_space<vmem>> -> memref<1x128x128xf32, #tpu.memory_space<vmem>>
        %dma_wait3A_310 = tpu.memref_squeeze %dma_wait3A_309 : memref<1x128x128xf32, #tpu.memory_space<vmem>> -> memref<128x128xf32, #tpu.memory_space<vmem>>
        %dma_wait3A_311 = arith.constant 0 : i32
        %dma_wait3A_312 = tpu.memref_slice %arg3[%mul3A_297, %dma_wait3A_311] : memref<4096x128xf32, #tpu.memory_space<hbm>> -> memref<128x128xf32, #tpu.memory_space<hbm>>
        tpu.wait_dma2 semaphore(%dma_wait3A_306 : memref<!tpu.dma_semaphore, #tpu.memory_space<semaphore_mem>>) src(%dma_wait3A_312 : memref<128x128xf32, #tpu.memory_space<hbm>>) dst(%dma_wait3A_310 : memref<128x128xf32, #tpu.memory_space<vmem>>)
        "tpu.trace_stop"() : () -> ()
      } else {
      }
      %ne3A_175 = arith.cmpi ne, %add3A_108, %add3A_118 : i32
      %or3A_176 = arith.constant false
      %or3A_177 = arith.ori %or3A_176, %ne3A_175 : i1
      %or3A_178 = arith.ori %or3A_177, %eq3A_104 : i1
      %convert_element_type3A_179 = arith.extui %or3A_178 : i1 to i32
      %cond3A_180 = arith.constant 0 : i32
      %cond3A_181 = arith.cmpi ne, %convert_element_type3A_179, %cond3A_180 : i32
      scf.if %cond3A_181 {
        "tpu.trace_start"() <{level = 10 : i32, message = "ep_wait_in"}> : () -> ()
        %mul3A_296 = arith.constant 128 : i32
        %mul3A_297 = arith.muli %mul3A_296, %add3A_108 : i32
        %rem3A_298 = arith.constant 2 : i32
        %rem3A_299 = arith.remui %scan3A_100, %rem3A_298 : i32
        %dma_wait3A = arith.constant 0 : i32
        %dma_wait3A_300 = arith.constant 0 : i32
        %dma_wait3A_301 = tpu.memref_slice %run_scoped3A_20[%rem3A_299, %dma_wait3A, %dma_wait3A_300] : memref<2x1x128xi32, #tpu.memory_space<vmem>> -> memref<1x1x128xi32, #tpu.memory_space<vmem>>
        %dma_wait3A_302 = tpu.memref_squeeze %dma_wait3A_301 : memref<1x1x128xi32, #tpu.memory_space<vmem>> -> memref<1x128xi32, #tpu.memory_space<vmem>>
        %dma_wait3A_303 = arith.constant 0 : i32
        %dma_wait3A_304 = tpu.memref_slice %arg5[%dma_wait3A_303, %mul3A_297] : memref<1x4096xi32, #tpu.memory_space<hbm>> -> memref<1x128xi32, #tpu.memory_space<hbm>>
        %dma_wait3A_305 = tpu.memref_slice %run_scoped3A_21[%rem3A_299] : memref<2x!tpu.dma_semaphore, #tpu.memory_space<semaphore_mem>> -> memref<1x!tpu.dma_semaphore, #tpu.memory_space<semaphore_mem>>
        %dma_wait3A_306 = tpu.memref_squeeze %dma_wait3A_305 : memref<1x!tpu.dma_semaphore, #tpu.memory_space<semaphore_mem>> -> memref<!tpu.dma_semaphore, #tpu.memory_space<semaphore_mem>>
        %dma_wait3A_307 = arith.constant 0 : i32
        %dma_wait3A_308 = arith.constant 0 : i32
        %dma_wait3A_309 = tpu.memref_slice %run_scoped3A_20[%rem3A_299, %dma_wait3A_307, %dma_wait3A_308] : memref<2x1x128xi32, #tpu.memory_space<vmem>> -> memref<1x1x128xi32, #tpu.memory_space<vmem>>
        %dma_wait3A_310 = tpu.memref_squeeze %dma_wait3A_309 : memref<1x1x128xi32, #tpu.memory_space<vmem>> -> memref<1x128xi32, #tpu.memory_space<vmem>>
        %dma_wait3A_311 = arith.constant 0 : i32
        %dma_wait3A_312 = tpu.memref_slice %arg5[%dma_wait3A_311, %mul3A_297] : memref<1x4096xi32, #tpu.memory_space<hbm>> -> memref<1x128xi32, #tpu.memory_space<hbm>>
        tpu.wait_dma2 semaphore(%dma_wait3A_306 : memref<!tpu.dma_semaphore, #tpu.memory_space<semaphore_mem>>) src(%dma_wait3A_312 : memref<1x128xi32, #tpu.memory_space<hbm>>) dst(%dma_wait3A_310 : memref<1x128xi32, #tpu.memory_space<vmem>>)
        "tpu.trace_stop"() : () -> ()
      } else {
      }
      %rem3A_182 = arith.constant 2 : i32
      %rem3A_183 = arith.remui %scan3A, %rem3A_182 : i32
      %rem3A_184 = arith.constant 2 : i32
      %rem3A_185 = arith.remui %scan3A_100, %rem3A_184 : i32
      %run_scoped3A_186 = arith.constant 0 : i32
      "tpu.trace_start"() <{level = 10 : i32, message = "ep_run_kernel"}> : () -> ()
      "tpu.region"() ({
        %run_scoped3A_296 = tpu.sem_alloc : memref<!tpu.dma_semaphore, #tpu.memory_space<semaphore_mem>>
        %dma_start3A_297 = arith.constant 0 : i32
        %dma_start3A_298 = arith.constant 0 : i32
        %dma_start3A_299 = tpu.memref_slice %run_scoped3A[%rem3A_183, %dma_start3A_297, %dma_start3A_298] : memref<2x128x128xf32, #tpu.memory_space<vmem>> -> memref<1x128x128xf32, #tpu.memory_space<vmem>>
        %dma_start3A_300 = tpu.memref_squeeze %dma_start3A_299 : memref<1x128x128xf32, #tpu.memory_space<vmem>> -> memref<128x128xf32, #tpu.memory_space<vmem>>
        %dma_start3A_301 = arith.constant 0 : i32
        %dma_start3A_302 = arith.constant 0 : i32
        %dma_start3A_303 = tpu.memref_slice %run_scoped3A_20[%rem3A_185, %dma_start3A_301, %dma_start3A_302] : memref<2x1x128xi32, #tpu.memory_space<vmem>> -> memref<1x1x128xi32, #tpu.memory_space<vmem>>
        %dma_start3A_304 = tpu.memref_squeeze %dma_start3A_303 : memref<1x1x128xi32, #tpu.memory_space<vmem>> -> memref<1x128xi32, #tpu.memory_space<vmem>>
        %dma_start3A_305 = arith.constant 0 : i32
        %dma_start3A_306 = tpu.memref_slice %dma_start3A_304[%run_scoped3A_186, %dma_start3A_305] : memref<1x128xi32, #tpu.memory_space<vmem>> -> memref<1x128xi32, #tpu.memory_space<vmem>>
        %dma_start3A_307 = tpu.memref_squeeze %dma_start3A_306 : memref<1x128xi32, #tpu.memory_space<vmem>> -> memref<128xi32, #tpu.memory_space<vmem>>
        %dma_start3A_308 = arith.constant 0 : i32
        %dma_start3A_309 = arith.constant 0 : i32
        %dma_start3A_310 = tpu.memref_slice %arg9[%dma_start3A_308, %dma_start3A_309] : memref<1024x128xf32, #tpu.memory_space<vmem_shared>> -> memref<1024x128xf32, #tpu.memory_space<vmem_shared>>
        tpu.enqueue_indirect_dma source(%dma_start3A_300 : memref<128x128xf32, #tpu.memory_space<vmem>>) target(%dma_start3A_310 : memref<1024x128xf32, #tpu.memory_space<vmem_shared>>) offsets(%dma_start3A_307 : memref<128xi32, #tpu.memory_space<vmem>>) semaphore(%run_scoped3A_296 : memref<!tpu.dma_semaphore, #tpu.memory_space<semaphore_mem>>) {add = true}
        %dma_wait3A = arith.constant 0 : i32
        %dma_wait3A_311 = arith.constant 0 : i32
        %dma_wait3A_312 = tpu.memref_slice %run_scoped3A[%rem3A_183, %dma_wait3A, %dma_wait3A_311] : memref<2x128x128xf32, #tpu.memory_space<vmem>> -> memref<1x128x128xf32, #tpu.memory_space<vmem>>
        %dma_wait3A_313 = tpu.memref_squeeze %dma_wait3A_312 : memref<1x128x128xf32, #tpu.memory_space<vmem>> -> memref<128x128xf32, #tpu.memory_space<vmem>>
        %dma_wait3A_314 = arith.constant 0 : i32
        %dma_wait3A_315 = arith.constant 0 : i32
        %dma_wait3A_316 = tpu.memref_slice %run_scoped3A_20[%rem3A_185, %dma_wait3A_314, %dma_wait3A_315] : memref<2x1x128xi32, #tpu.memory_space<vmem>> -> memref<1x1x128xi32, #tpu.memory_space<vmem>>
        %dma_wait3A_317 = tpu.memref_squeeze %dma_wait3A_316 : memref<1x1x128xi32, #tpu.memory_space<vmem>> -> memref<1x128xi32, #tpu.memory_space<vmem>>
        %dma_wait3A_318 = arith.constant 0 : i32
        %dma_wait3A_319 = tpu.memref_slice %dma_wait3A_317[%run_scoped3A_186, %dma_wait3A_318] : memref<1x128xi32, #tpu.memory_space<vmem>> -> memref<1x128xi32, #tpu.memory_space<vmem>>
        %dma_wait3A_320 = tpu.memref_squeeze %dma_wait3A_319 : memref<1x128xi32, #tpu.memory_space<vmem>> -> memref<128xi32, #tpu.memory_space<vmem>>
        %dma_wait3A_321 = arith.constant 0 : i32
        %dma_wait3A_322 = arith.constant 0 : i32
        %dma_wait3A_323 = tpu.memref_slice %arg9[%dma_wait3A_321, %dma_wait3A_322] : memref<1024x128xf32, #tpu.memory_space<vmem_shared>> -> memref<1024x128xf32, #tpu.memory_space<vmem_shared>>
        tpu.wait_indirect_dma semaphore(%run_scoped3A_296 : memref<!tpu.dma_semaphore, #tpu.memory_space<semaphore_mem>>) src(%dma_wait3A_313 : memref<128x128xf32, #tpu.memory_space<vmem>>) dst(%dma_wait3A_323 : memref<1024x128xf32, #tpu.memory_space<vmem_shared>>)
        tpu.yield
      }) : () -> ()
      "tpu.trace_stop"() : () -> ()
      %ne3A_187 = arith.cmpi ne, %add3A_108, %add3A_128 : i32
      %or3A_188 = arith.constant false
      %or3A_189 = arith.ori %or3A_188, %ne3A_187 : i1
      %or3A_190 = arith.constant false
      %or3A_191 = arith.ori %or3A_189, %or3A_190 : i1
      %or3A_192 = arith.ori %or3A_191, %eq3A_106 : i1
      %convert_element_type3A_193 = arith.extui %or3A_192 : i1 to i32
      %cond3A_194 = arith.constant 0 : i32
      %cond3A_195 = arith.cmpi ne, %convert_element_type3A_193, %cond3A_194 : i32
      scf.if %cond3A_195 {
      } else {
      }
      %and3A_196 = arith.constant false
      %and3A_197 = arith.andi %or3A_192, %and3A_196 : i1
      %ne3A_198 = arith.cmpi ne, %add3A_108, %add3A_128 : i32
      %or3A_199 = arith.constant false
      %or3A_200 = arith.ori %or3A_199, %ne3A_198 : i1
      %or3A_201 = arith.ori %or3A_200, %eq3A_106 : i1
      %convert_element_type3A_202 = arith.extui %or3A_201 : i1 to i32
      %cond3A_203 = arith.constant 0 : i32
      %cond3A_204 = arith.cmpi ne, %convert_element_type3A_202, %cond3A_203 : i32
      scf.if %cond3A_204 {
      } else {
      }
      %and3A_205 = arith.constant false
      %and3A_206 = arith.andi %or3A_201, %and3A_205 : i1
      %ne3A_207 = arith.cmpi ne, %add3A_108, %add3A_118 : i32
      %or3A_208 = arith.constant false
      %or3A_209 = arith.ori %or3A_208, %ne3A_207 : i1
      %or3A_210 = arith.constant false
      %or3A_211 = arith.ori %or3A_209, %or3A_210 : i1
      %not3A_212 = arith.constant true
      %not3A_213 = arith.xori %eq3A_104, %not3A_212 : i1
      %and3A_214 = arith.andi %or3A_211, %not3A_213 : i1
      %convert_element_type3A_215 = arith.extui %and3A_214 : i1 to i32
      %cond3A_216 = arith.constant 0 : i32
      %cond3A_217 = arith.cmpi ne, %convert_element_type3A_215, %cond3A_216 : i32
      scf.if %cond3A_217 {
      } else {
      }
      %and3A_218 = arith.constant false
      %and3A_219 = arith.andi %and3A_214, %and3A_218 : i1
      %ne3A_220 = arith.cmpi ne, %add3A_108, %add3A_118 : i32
      %or3A_221 = arith.constant false
      %or3A_222 = arith.ori %or3A_221, %ne3A_220 : i1
      %not3A_223 = arith.constant true
      %not3A_224 = arith.xori %eq3A_104, %not3A_223 : i1
      %and3A_225 = arith.andi %or3A_222, %not3A_224 : i1
      %convert_element_type3A_226 = arith.extui %and3A_225 : i1 to i32
      %cond3A_227 = arith.constant 0 : i32
      %cond3A_228 = arith.cmpi ne, %convert_element_type3A_226, %cond3A_227 : i32
      scf.if %cond3A_228 {
      } else {
      }
      %and3A_229 = arith.constant false
      %and3A_230 = arith.andi %and3A_225, %and3A_229 : i1
      %ne3A_231 = arith.cmpi ne, %add3A_108, %add3A_128 : i32
      %or3A_232 = arith.constant false
      %or3A_233 = arith.ori %or3A_232, %ne3A_231 : i1
      %or3A_234 = arith.constant false
      %or3A_235 = arith.ori %or3A_233, %or3A_234 : i1
      %or3A_236 = arith.ori %or3A_235, %eq3A_106 : i1
      %add3A_237 = arith.constant 1 : i32
      %add3A_238 = arith.addi %scan3A, %add3A_237 : i32
      %select_n3A_239 = arith.select %or3A_236, %add3A_238, %scan3A : i32
      %ne3A_240 = arith.cmpi ne, %add3A_108, %add3A_128 : i32
      %or3A_241 = arith.constant false
      %or3A_242 = arith.ori %or3A_241, %ne3A_240 : i1
      %or3A_243 = arith.ori %or3A_242, %eq3A_106 : i1
      %add3A_244 = arith.constant 1 : i32
      %add3A_245 = arith.addi %scan3A_100, %add3A_244 : i32
      %select_n3A_246 = arith.select %or3A_243, %add3A_245, %scan3A_100 : i32
      %select_n3A_247 = arith.constant true
      %select_n3A_248 = arith.constant 0 : i32
      %select_n3A_249 = arith.constant 1 : i32
      %select_n3A_250 = arith.select %select_n3A_247, %select_n3A_249, %select_n3A_248 : i32
      %eq3A_251 = arith.constant 1 : i32
      %eq3A_252 = arith.cmpi eq, %select_n3A_250, %eq3A_251 : i32
      %select_n3A_253 = arith.constant 0 : i32
      %select_n3A_254 = arith.select %eq3A_252, %select_n3A_253, %select_n3A_250 : i32
      %scan3A_255 = arith.constant 0 : i32
      %scan3A_256 = arith.constant 1 : i32
      %sub3A = arith.constant 1 : i32
      %sub3A_257 = arith.subi %scan3A_255, %sub3A : i32
      %select_n3A_258 = arith.constant true
      %select_n3A_259 = arith.select %select_n3A_258, %sub3A_257, %scan3A_255 : i32
      %eq3A_260 = arith.constant -1 : i32
      %eq3A_261 = arith.cmpi eq, %select_n3A_259, %eq3A_260 : i32
      %select_n3A_262 = arith.constant 0 : i32
      %select_n3A_263 = arith.select %eq3A_261, %select_n3A_262, %select_n3A_259 : i32
      %add3A_264 = arith.constant 0 : i32
      %add3A_265 = arith.addi %add3A_264, %mul3A_17 : i32
      %select_n3A_266 = arith.constant true
      %select_n3A_267 = arith.constant 0 : i32
      %select_n3A_268 = arith.constant -1 : i32
      %select_n3A_269 = arith.select %select_n3A_266, %select_n3A_268, %select_n3A_267 : i32
      %eq3A_270 = arith.constant -1 : i32
      %eq3A_271 = arith.cmpi eq, %select_n3A_269, %eq3A_270 : i32
      %select_n3A_272 = arith.constant 0 : i32
      %select_n3A_273 = arith.select %eq3A_271, %select_n3A_272, %select_n3A_269 : i32
      %add3A_274 = arith.constant 0 : i32
      %add3A_275 = arith.addi %add3A_274, %mul3A_17 : i32
      %select_n3A_276 = arith.constant true
      %select_n3A_277 = arith.constant 0 : i32
      %select_n3A_278 = arith.constant 1 : i32
      %select_n3A_279 = arith.select %select_n3A_276, %select_n3A_278, %select_n3A_277 : i32
      %eq3A_280 = arith.constant 1 : i32
      %eq3A_281 = arith.cmpi eq, %select_n3A_279, %eq3A_280 : i32
      %select_n3A_282 = arith.constant 0 : i32
      %select_n3A_283 = arith.select %eq3A_281, %select_n3A_282, %select_n3A_279 : i32
      %add3A_284 = arith.constant 0 : i32
      %add3A_285 = arith.addi %add3A_284, %mul3A_17 : i32
      %select_n3A_286 = arith.constant true
      %select_n3A_287 = arith.constant 0 : i32
      %select_n3A_288 = arith.constant 1 : i32
      %select_n3A_289 = arith.select %select_n3A_286, %select_n3A_288, %select_n3A_287 : i32
      %eq3A_290 = arith.constant 1 : i32
      %eq3A_291 = arith.cmpi eq, %select_n3A_289, %eq3A_290 : i32
      %select_n3A_292 = arith.constant 0 : i32
      %select_n3A_293 = arith.select %eq3A_291, %select_n3A_292, %select_n3A_289 : i32
      %add3A_294 = arith.constant 0 : i32
      %add3A_295 = arith.addi %add3A_294, %mul3A_17 : i32
      tpu.yield
    }) : () -> ()
    %barrier3A_18 = arith.constant 0 : index
    tpu.barrier barrier_id(%barrier3A_18)
    "tpu.region"() ({
      %run_scoped3A = tpu.sem_alloc : memref<!tpu.dma_semaphore, #tpu.memory_space<semaphore_mem>>
      %dma_start3A = arith.constant 0 : i32
      %dma_start3A_19 = arith.constant 0 : i32
      %dma_start3A_20 = tpu.memref_slice %arg8[%arg0, %dma_start3A, %dma_start3A_19] : memref<2x1024x128xf32, #tpu.memory_space<hbm>> -> memref<1x1024x128xf32, #tpu.memory_space<hbm>>
      %dma_start3A_21 = tpu.memref_squeeze %dma_start3A_20 : memref<1x1024x128xf32, #tpu.memory_space<hbm>> -> memref<1024x128xf32, #tpu.memory_space<hbm>>
      %dma_start3A_22 = arith.constant 0 : i32
      %dma_start3A_23 = tpu.memref_slice %dma_start3A_21[%mul3A_0, %dma_start3A_22] : memref<1024x128xf32, #tpu.memory_space<hbm>> -> memref<64x128xf32, #tpu.memory_space<hbm>>
      %dma_start3A_24 = arith.constant 0 : i32
      %dma_start3A_25 = tpu.memref_slice %arg9[%mul3A_0, %dma_start3A_24] : memref<1024x128xf32, #tpu.memory_space<vmem_shared>> -> memref<64x128xf32, #tpu.memory_space<vmem_shared>>
      tpu.enqueue_dma source(%dma_start3A_25 : memref<64x128xf32, #tpu.memory_space<vmem_shared>>) target(%dma_start3A_23 : memref<64x128xf32, #tpu.memory_space<hbm>>) target_semaphore(%run_scoped3A : memref<!tpu.dma_semaphore, #tpu.memory_space<semaphore_mem>>)
      %dma_wait3A = arith.constant 0 : i32
      %dma_wait3A_26 = arith.constant 0 : i32
      %dma_wait3A_27 = tpu.memref_slice %arg8[%arg0, %dma_wait3A, %dma_wait3A_26] : memref<2x1024x128xf32, #tpu.memory_space<hbm>> -> memref<1x1024x128xf32, #tpu.memory_space<hbm>>
      %dma_wait3A_28 = tpu.memref_squeeze %dma_wait3A_27 : memref<1x1024x128xf32, #tpu.memory_space<hbm>> -> memref<1024x128xf32, #tpu.memory_space<hbm>>
      %dma_wait3A_29 = arith.constant 0 : i32
      %dma_wait3A_30 = tpu.memref_slice %dma_wait3A_28[%mul3A_0, %dma_wait3A_29] : memref<1024x128xf32, #tpu.memory_space<hbm>> -> memref<64x128xf32, #tpu.memory_space<hbm>>
      %dma_wait3A_31 = arith.constant 0 : i32
      %dma_wait3A_32 = tpu.memref_slice %arg9[%mul3A_0, %dma_wait3A_31] : memref<1024x128xf32, #tpu.memory_space<vmem_shared>> -> memref<64x128xf32, #tpu.memory_space<vmem_shared>>
      tpu.wait_dma2 semaphore(%run_scoped3A : memref<!tpu.dma_semaphore, #tpu.memory_space<semaphore_mem>>) src(%dma_wait3A_32 : memref<64x128xf32, #tpu.memory_space<vmem_shared>>) dst(%dma_wait3A_30 : memref<64x128xf32, #tpu.memory_space<hbm>>)
      tpu.yield
    }) : () -> ()
    return
  }
}

module attributes {stable_mosaic.version = 14 : i64} {
  func.func @_main_body(%arg0: i32, %arg1: memref<256x4096xf32, #tpu.memory_space<vmem>>, %arg2: memref<256x4096xf32, #tpu.memory_space<vmem>>, %arg3: memref<64x1024xf32, #tpu.memory_space<vmem>>, %arg4: memref<64x1024xf32, #tpu.memory_space<vmem>>, %arg5: memref<1024x128xf32, #tpu.memory_space<vmem>>, %arg6: memref<4096x128xf32, #tpu.memory_space<vmem>>, %arg7: memref<64x1xf32, #tpu.memory_space<vmem>>, %arg8: memref<256x1xf32, #tpu.memory_space<vmem>>, %arg9: memref<128x128xf32, #tpu.memory_space<vmem>>, %arg10: memref<128x128xf32, #tpu.memory_space<vmem>>, %arg11: memref<128x128xf32, #tpu.memory_space<vmem>>, %arg12: memref<128x128xf32, #tpu.memory_space<vmem>>, %arg13: memref<128x128xf32, #tpu.memory_space<vmem>>, %arg14: memref<128x128xf32, #tpu.memory_space<vmem>>, %arg15: memref<128x128xf32, #tpu.memory_space<vmem>>, %arg16: memref<128x128xf32, #tpu.memory_space<vmem>>, %arg17: memref<1x128xf32, #tpu.memory_space<vmem>>, %arg18: memref<1x128xf32, #tpu.memory_space<vmem>>, %arg19: memref<64x128xf32, #tpu.memory_space<vmem>>, %arg20: memref<256x128xf32, #tpu.memory_space<vmem>>, %arg21: memref<4096x128xbf16, #tpu.memory_space<vmem>>, %arg22: memref<1024x128xbf16, #tpu.memory_space<vmem>>) attributes {dimension_semantics = [#tpu.dimension_semantics<arbitrary>], iteration_bounds = array<i64: 16>, scalar_prefetch = 0 : i64, scratch_operands = 2 : i64, tpu.core_type = #tpu.core_type<tc>, window_params = [{transform_indices = @transform_0, window_bounds = array<i64: 256, 4096>}, {transform_indices = @transform_1, window_bounds = array<i64: 256, 4096>}, {transform_indices = @transform_2, window_bounds = array<i64: 64, 1024>}, {transform_indices = @transform_3, window_bounds = array<i64: 64, 1024>}, {pipeline_mode = #tpu.pipeline_mode<synchronous>, transform_indices = @transform_4, window_bounds = array<i64: 1024, 128>}, {pipeline_mode = #tpu.pipeline_mode<synchronous>, transform_indices = @transform_5, window_bounds = array<i64: 4096, 128>}, {transform_indices = @transform_6, window_bounds = array<i64: 64, 1>}, {transform_indices = @transform_7, window_bounds = array<i64: 256, 1>}, {pipeline_mode = #tpu.pipeline_mode<synchronous>, transform_indices = @transform_8, window_bounds = array<i64: 128, 128>}, {pipeline_mode = #tpu.pipeline_mode<synchronous>, transform_indices = @transform_9, window_bounds = array<i64: 128, 128>}, {pipeline_mode = #tpu.pipeline_mode<synchronous>, transform_indices = @transform_10, window_bounds = array<i64: 128, 128>}, {pipeline_mode = #tpu.pipeline_mode<synchronous>, transform_indices = @transform_11, window_bounds = array<i64: 128, 128>}, {pipeline_mode = #tpu.pipeline_mode<synchronous>, transform_indices = @transform_12, window_bounds = array<i64: 128, 128>}, {pipeline_mode = #tpu.pipeline_mode<synchronous>, transform_indices = @transform_13, window_bounds = array<i64: 128, 128>}, {pipeline_mode = #tpu.pipeline_mode<synchronous>, transform_indices = @transform_14, window_bounds = array<i64: 128, 128>}, {pipeline_mode = #tpu.pipeline_mode<synchronous>, transform_indices = @transform_15, window_bounds = array<i64: 128, 128>}, {pipeline_mode = #tpu.pipeline_mode<synchronous>, transform_indices = @transform_16, window_bounds = array<i64: 1, 128>}, {pipeline_mode = #tpu.pipeline_mode<synchronous>, transform_indices = @transform_17, window_bounds = array<i64: 1, 128>}, {transform_indices = @transform_18, window_bounds = array<i64: 64, 128>}, {transform_indices = @transform_19, window_bounds = array<i64: 256, 128>}]} {
    %eq3A = arith.constant 0 : i32
    %eq3A_0 = arith.cmpi eq, %arg0, %eq3A : i32
    %convert_element_type3A = arith.extui %eq3A_0 : i1 to i32
    %cond3A = arith.constant 0 : i32
    %cond3A_1 = arith.cmpi ne, %convert_element_type3A, %cond3A : i32
    scf.if %cond3A_1 {
      %get3A_125 = arith.constant 0 : index
      %get3A_126 = arith.constant 0 : index
      %get3A_127 = vector.load %arg6[%get3A_125, %get3A_126] : memref<4096x128xf32, #tpu.memory_space<vmem>>, vector<4096x128xf32>
      %convert_element_type3A_128 = arith.truncf %get3A_127 : vector<4096x128xf32> to vector<4096x128xbf16>
      %swap3A_129 = arith.constant 0 : index
      %swap3A_130 = arith.constant 0 : index
      %swap3A_131 = vector.load %arg21[%swap3A_129, %swap3A_130] : memref<4096x128xbf16, #tpu.memory_space<vmem>>, vector<4096x128xbf16>
      tpu.vector_store %arg21[%swap3A_129, %swap3A_130], %convert_element_type3A_128 {strides = array<i32>} : memref<4096x128xbf16, #tpu.memory_space<vmem>>, vector<4096x128xbf16>,
      %get3A_132 = arith.constant 0 : index
      %get3A_133 = arith.constant 0 : index
      %get3A_134 = vector.load %arg5[%get3A_132, %get3A_133] : memref<1024x128xf32, #tpu.memory_space<vmem>>, vector<1024x128xf32>
      %convert_element_type3A_135 = arith.truncf %get3A_134 : vector<1024x128xf32> to vector<1024x128xbf16>
      %swap3A_136 = arith.constant 0 : index
      %swap3A_137 = arith.constant 0 : index
      %swap3A_138 = vector.load %arg22[%swap3A_136, %swap3A_137] : memref<1024x128xbf16, #tpu.memory_space<vmem>>, vector<1024x128xbf16>
      tpu.vector_store %arg22[%swap3A_136, %swap3A_137], %convert_element_type3A_135 {strides = array<i32>} : memref<1024x128xbf16, #tpu.memory_space<vmem>>, vector<1024x128xbf16>,
    } else {
    }
    %get3A = arith.constant 0 : index
    %get3A_2 = arith.constant 0 : index
    %get3A_3 = vector.load %arg21[%get3A, %get3A_2] : memref<4096x128xbf16, #tpu.memory_space<vmem>>, vector<4096x128xbf16>
    %get3A_4 = arith.constant 0 : index
    %get3A_5 = arith.constant 0 : index
    %get3A_6 = vector.load %arg22[%get3A_4, %get3A_5] : memref<1024x128xbf16, #tpu.memory_space<vmem>>, vector<1024x128xbf16>
    %get3A_7 = arith.constant 0 : index
    %get3A_8 = arith.constant 0 : index
    %get3A_9 = vector.load %arg1[%get3A_7, %get3A_8] : memref<256x4096xf32, #tpu.memory_space<vmem>>, vector<256x4096xf32>
    %convert_element_type3A_10 = arith.truncf %get3A_9 : vector<256x4096xf32> to vector<256x4096xbf16>
    %dot_general3A = arith.constant dense<0.000000e+00> : vector<256x128xf32>
    %dot_general3A_11 = tpu.matmul %convert_element_type3A_10, %get3A_3, %dot_general3A {dimension_numbers = #tpu.dot_dimension_numbers<[1], [0], [0], [1], [0, 0, 1, 1], [], []>, transpose_lhs_hint = false} : vector<256x4096xbf16>, vector<4096x128xbf16>, vector<256x128xf32> -> vector<256x128xf32>
    %get3A_12 = arith.constant 0 : index
    %get3A_13 = arith.constant 0 : index
    %get3A_14 = vector.load %arg2[%get3A_12, %get3A_13] : memref<256x4096xf32, #tpu.memory_space<vmem>>, vector<256x4096xf32>
    %convert_element_type3A_15 = arith.truncf %get3A_14 : vector<256x4096xf32> to vector<256x4096xbf16>
    %dot_general3A_16 = arith.constant dense<0.000000e+00> : vector<256x128xf32>
    %dot_general3A_17 = tpu.matmul %convert_element_type3A_15, %get3A_3, %dot_general3A_16 {dimension_numbers = #tpu.dot_dimension_numbers<[1], [0], [0], [1], [0, 0, 1, 1], [], []>, transpose_lhs_hint = false} : vector<256x4096xbf16>, vector<4096x128xbf16>, vector<256x128xf32> -> vector<256x128xf32>
    %mul3A = arith.constant 256 : i32
    %mul3A_18 = arith.muli %arg0, %mul3A : i32
    %get3A_19 = arith.index_cast %mul3A_18 : i32 to index
    %get3A_20 = arith.constant 0 : index
    %get3A_21 = vector.load %arg6[%get3A_19, %get3A_20] : memref<4096x128xf32, #tpu.memory_space<vmem>>, vector<256x128xf32>
    %convert_element_type3A_22 = arith.truncf %dot_general3A_11 : vector<256x128xf32> to vector<256x128xbf16>
    %get3A_23 = arith.constant 0 : index
    %get3A_24 = arith.constant 0 : index
    %get3A_25 = vector.load %arg15[%get3A_23, %get3A_24] : memref<128x128xf32, #tpu.memory_space<vmem>>, vector<128x128xf32>
    %convert_element_type3A_26 = arith.truncf %get3A_25 : vector<128x128xf32> to vector<128x128xbf16>
    %dot_general3A_27 = arith.constant dense<0.000000e+00> : vector<256x128xf32>
    %dot_general3A_28 = tpu.matmul %convert_element_type3A_22, %convert_element_type3A_26, %dot_general3A_27 {dimension_numbers = #tpu.dot_dimension_numbers<[1], [1], [0], [0], [0, 0, 1, 0], [], []>, transpose_lhs_hint = false} : vector<256x128xbf16>, vector<128x128xbf16>, vector<256x128xf32> -> vector<256x128xf32>
    %convert_element_type3A_29 = arith.truncf %dot_general3A_17 : vector<256x128xf32> to vector<256x128xbf16>
    %get3A_30 = arith.constant 0 : index
    %get3A_31 = arith.constant 0 : index
    %get3A_32 = vector.load %arg16[%get3A_30, %get3A_31] : memref<128x128xf32, #tpu.memory_space<vmem>>, vector<128x128xf32>
    %convert_element_type3A_33 = arith.truncf %get3A_32 : vector<128x128xf32> to vector<128x128xbf16>
    %dot_general3A_34 = arith.constant dense<0.000000e+00> : vector<256x128xf32>
    %dot_general3A_35 = tpu.matmul %convert_element_type3A_29, %convert_element_type3A_33, %dot_general3A_34 {dimension_numbers = #tpu.dot_dimension_numbers<[1], [1], [0], [0], [0, 0, 1, 0], [], []>, transpose_lhs_hint = false} : vector<256x128xbf16>, vector<128x128xbf16>, vector<256x128xf32> -> vector<256x128xf32>
    %add3A = arith.addf %dot_general3A_28, %dot_general3A_35 : vector<256x128xf32>
    %convert_element_type3A_36 = arith.truncf %get3A_21 : vector<256x128xf32> to vector<256x128xbf16>
    %get3A_37 = arith.constant 0 : index
    %get3A_38 = arith.constant 0 : index
    %get3A_39 = vector.load %arg13[%get3A_37, %get3A_38] : memref<128x128xf32, #tpu.memory_space<vmem>>, vector<128x128xf32>
    %convert_element_type3A_40 = arith.truncf %get3A_39 : vector<128x128xf32> to vector<128x128xbf16>
    %dot_general3A_41 = arith.constant dense<0.000000e+00> : vector<256x128xf32>
    %dot_general3A_42 = tpu.matmul %convert_element_type3A_36, %convert_element_type3A_40, %dot_general3A_41 {dimension_numbers = #tpu.dot_dimension_numbers<[1], [1], [0], [0], [0, 0, 1, 0], [], []>, transpose_lhs_hint = false} : vector<256x128xbf16>, vector<128x128xbf16>, vector<256x128xf32> -> vector<256x128xf32>
    %add3A_43 = arith.addf %add3A, %dot_general3A_42 : vector<256x128xf32>
    %get3A_44 = arith.constant 0 : index
    %get3A_45 = arith.constant 0 : index
    %get3A_46 = vector.load %arg8[%get3A_44, %get3A_45] : memref<256x1xf32, #tpu.memory_space<vmem>>, vector<256x1xf32>
    %mul3A_47 = vector.broadcast %get3A_46 : vector<256x1xf32> to vector<256x128xf32>
    %mul3A_48 = arith.mulf %get3A_21, %mul3A_47 : vector<256x128xf32>
    %convert_element_type3A_49 = arith.truncf %mul3A_48 : vector<256x128xf32> to vector<256x128xbf16>
    %get3A_50 = arith.constant 0 : index
    %get3A_51 = arith.constant 0 : index
    %get3A_52 = vector.load %arg14[%get3A_50, %get3A_51] : memref<128x128xf32, #tpu.memory_space<vmem>>, vector<128x128xf32>
    %convert_element_type3A_53 = arith.truncf %get3A_52 : vector<128x128xf32> to vector<128x128xbf16>
    %dot_general3A_54 = arith.constant dense<0.000000e+00> : vector<256x128xf32>
    %dot_general3A_55 = tpu.matmul %convert_element_type3A_49, %convert_element_type3A_53, %dot_general3A_54 {dimension_numbers = #tpu.dot_dimension_numbers<[1], [1], [0], [0], [0, 0, 1, 0], [], []>, transpose_lhs_hint = false} : vector<256x128xbf16>, vector<128x128xbf16>, vector<256x128xf32> -> vector<256x128xf32>
    %add3A_56 = arith.addf %add3A_43, %dot_general3A_55 : vector<256x128xf32>
    %get3A_57 = arith.constant 0 : index
    %get3A_58 = arith.constant 0 : index
    %get3A_59 = vector.load %arg18[%get3A_57, %get3A_58] : memref<1x128xf32, #tpu.memory_space<vmem>>, vector<1x128xf32>
    %add3A_60 = vector.broadcast %get3A_59 : vector<1x128xf32> to vector<256x128xf32>
    %add3A_61 = arith.addf %add3A_56, %add3A_60 : vector<256x128xf32>
    %swap3A = arith.constant 0 : index
    %swap3A_62 = arith.constant 0 : index
    %swap3A_63 = vector.load %arg20[%swap3A, %swap3A_62] : memref<256x128xf32, #tpu.memory_space<vmem>>, vector<256x128xf32>
    tpu.vector_store %arg20[%swap3A, %swap3A_62], %add3A_61 {strides = array<i32>} : memref<256x128xf32, #tpu.memory_space<vmem>>, vector<256x128xf32>,
    %get3A_64 = arith.constant 0 : index
    %get3A_65 = arith.constant 0 : index
    %get3A_66 = vector.load %arg3[%get3A_64, %get3A_65] : memref<64x1024xf32, #tpu.memory_space<vmem>>, vector<64x1024xf32>
    %convert_element_type3A_67 = arith.truncf %get3A_66 : vector<64x1024xf32> to vector<64x1024xbf16>
    %dot_general3A_68 = arith.constant dense<0.000000e+00> : vector<64x128xf32>
    %dot_general3A_69 = tpu.matmul %convert_element_type3A_67, %get3A_6, %dot_general3A_68 {dimension_numbers = #tpu.dot_dimension_numbers<[1], [0], [0], [1], [0, 0, 1, 1], [], []>, transpose_lhs_hint = false} : vector<64x1024xbf16>, vector<1024x128xbf16>, vector<64x128xf32> -> vector<64x128xf32>
    %get3A_70 = arith.constant 0 : index
    %get3A_71 = arith.constant 0 : index
    %get3A_72 = vector.load %arg4[%get3A_70, %get3A_71] : memref<64x1024xf32, #tpu.memory_space<vmem>>, vector<64x1024xf32>
    %convert_element_type3A_73 = arith.truncf %get3A_72 : vector<64x1024xf32> to vector<64x1024xbf16>
    %dot_general3A_74 = arith.constant dense<0.000000e+00> : vector<64x128xf32>
    %dot_general3A_75 = tpu.matmul %convert_element_type3A_73, %get3A_6, %dot_general3A_74 {dimension_numbers = #tpu.dot_dimension_numbers<[1], [0], [0], [1], [0, 0, 1, 1], [], []>, transpose_lhs_hint = false} : vector<64x1024xbf16>, vector<1024x128xbf16>, vector<64x128xf32> -> vector<64x128xf32>
    %mul3A_76 = arith.constant 64 : i32
    %mul3A_77 = arith.muli %arg0, %mul3A_76 : i32
    %get3A_78 = arith.index_cast %mul3A_77 : i32 to index
    %get3A_79 = arith.constant 0 : index
    %get3A_80 = vector.load %arg5[%get3A_78, %get3A_79] : memref<1024x128xf32, #tpu.memory_space<vmem>>, vector<64x128xf32>
    %convert_element_type3A_81 = arith.truncf %dot_general3A_69 : vector<64x128xf32> to vector<64x128xbf16>
    %get3A_82 = arith.constant 0 : index
    %get3A_83 = arith.constant 0 : index
    %get3A_84 = vector.load %arg11[%get3A_82, %get3A_83] : memref<128x128xf32, #tpu.memory_space<vmem>>, vector<128x128xf32>
    %convert_element_type3A_85 = arith.truncf %get3A_84 : vector<128x128xf32> to vector<128x128xbf16>
    %dot_general3A_86 = arith.constant dense<0.000000e+00> : vector<64x128xf32>
    %dot_general3A_87 = tpu.matmul %convert_element_type3A_81, %convert_element_type3A_85, %dot_general3A_86 {dimension_numbers = #tpu.dot_dimension_numbers<[1], [1], [0], [0], [0, 0, 1, 0], [], []>, transpose_lhs_hint = false} : vector<64x128xbf16>, vector<128x128xbf16>, vector<64x128xf32> -> vector<64x128xf32>
    %convert_element_type3A_88 = arith.truncf %dot_general3A_75 : vector<64x128xf32> to vector<64x128xbf16>
    %get3A_89 = arith.constant 0 : index
    %get3A_90 = arith.constant 0 : index
    %get3A_91 = vector.load %arg12[%get3A_89, %get3A_90] : memref<128x128xf32, #tpu.memory_space<vmem>>, vector<128x128xf32>
    %convert_element_type3A_92 = arith.truncf %get3A_91 : vector<128x128xf32> to vector<128x128xbf16>
    %dot_general3A_93 = arith.constant dense<0.000000e+00> : vector<64x128xf32>
    %dot_general3A_94 = tpu.matmul %convert_element_type3A_88, %convert_element_type3A_92, %dot_general3A_93 {dimension_numbers = #tpu.dot_dimension_numbers<[1], [1], [0], [0], [0, 0, 1, 0], [], []>, transpose_lhs_hint = false} : vector<64x128xbf16>, vector<128x128xbf16>, vector<64x128xf32> -> vector<64x128xf32>
    %add3A_95 = arith.addf %dot_general3A_87, %dot_general3A_94 : vector<64x128xf32>
    %convert_element_type3A_96 = arith.truncf %get3A_80 : vector<64x128xf32> to vector<64x128xbf16>
    %get3A_97 = arith.constant 0 : index
    %get3A_98 = arith.constant 0 : index
    %get3A_99 = vector.load %arg9[%get3A_97, %get3A_98] : memref<128x128xf32, #tpu.memory_space<vmem>>, vector<128x128xf32>
    %convert_element_type3A_100 = arith.truncf %get3A_99 : vector<128x128xf32> to vector<128x128xbf16>
    %dot_general3A_101 = arith.constant dense<0.000000e+00> : vector<64x128xf32>
    %dot_general3A_102 = tpu.matmul %convert_element_type3A_96, %convert_element_type3A_100, %dot_general3A_101 {dimension_numbers = #tpu.dot_dimension_numbers<[1], [1], [0], [0], [0, 0, 1, 0], [], []>, transpose_lhs_hint = false} : vector<64x128xbf16>, vector<128x128xbf16>, vector<64x128xf32> -> vector<64x128xf32>
    %add3A_103 = arith.addf %add3A_95, %dot_general3A_102 : vector<64x128xf32>
    %get3A_104 = arith.constant 0 : index
    %get3A_105 = arith.constant 0 : index
    %get3A_106 = vector.load %arg7[%get3A_104, %get3A_105] : memref<64x1xf32, #tpu.memory_space<vmem>>, vector<64x1xf32>
    %mul3A_107 = vector.broadcast %get3A_106 : vector<64x1xf32> to vector<64x128xf32>
    %mul3A_108 = arith.mulf %get3A_80, %mul3A_107 : vector<64x128xf32>
    %convert_element_type3A_109 = arith.truncf %mul3A_108 : vector<64x128xf32> to vector<64x128xbf16>
    %get3A_110 = arith.constant 0 : index
    %get3A_111 = arith.constant 0 : index
    %get3A_112 = vector.load %arg10[%get3A_110, %get3A_111] : memref<128x128xf32, #tpu.memory_space<vmem>>, vector<128x128xf32>
    %convert_element_type3A_113 = arith.truncf %get3A_112 : vector<128x128xf32> to vector<128x128xbf16>
    %dot_general3A_114 = arith.constant dense<0.000000e+00> : vector<64x128xf32>
    %dot_general3A_115 = tpu.matmul %convert_element_type3A_109, %convert_element_type3A_113, %dot_general3A_114 {dimension_numbers = #tpu.dot_dimension_numbers<[1], [1], [0], [0], [0, 0, 1, 0], [], []>, transpose_lhs_hint = false} : vector<64x128xbf16>, vector<128x128xbf16>, vector<64x128xf32> -> vector<64x128xf32>
    %add3A_116 = arith.addf %add3A_103, %dot_general3A_115 : vector<64x128xf32>
    %get3A_117 = arith.constant 0 : index
    %get3A_118 = arith.constant 0 : index
    %get3A_119 = vector.load %arg17[%get3A_117, %get3A_118] : memref<1x128xf32, #tpu.memory_space<vmem>>, vector<1x128xf32>
    %add3A_120 = vector.broadcast %get3A_119 : vector<1x128xf32> to vector<64x128xf32>
    %add3A_121 = arith.addf %add3A_116, %add3A_120 : vector<64x128xf32>
    %swap3A_122 = arith.constant 0 : index
    %swap3A_123 = arith.constant 0 : index
    %swap3A_124 = vector.load %arg19[%swap3A_122, %swap3A_123] : memref<64x128xf32, #tpu.memory_space<vmem>>, vector<64x128xf32>
    tpu.vector_store %arg19[%swap3A_122, %swap3A_123], %add3A_121 {strides = array<i32>} : memref<64x128xf32, #tpu.memory_space<vmem>>, vector<64x128xf32>,
    return
  }
  func.func @transform_0(%arg0: i32) -> (i32, i32) {
    %c0_i32 = arith.constant 0 : i32
    %c0_i32_0 = arith.constant 0 : i32
    return %arg0, %c0_i32 : i32, i32
  }
  func.func @transform_1(%arg0: i32) -> (i32, i32) {
    %c0_i32 = arith.constant 0 : i32
    %c0_i32_0 = arith.constant 0 : i32
    return %arg0, %c0_i32 : i32, i32
  }
  func.func @transform_2(%arg0: i32) -> (i32, i32) {
    %c0_i32 = arith.constant 0 : i32
    %c0_i32_0 = arith.constant 0 : i32
    return %arg0, %c0_i32 : i32, i32
  }
  func.func @transform_3(%arg0: i32) -> (i32, i32) {
    %c0_i32 = arith.constant 0 : i32
    %c0_i32_0 = arith.constant 0 : i32
    return %arg0, %c0_i32 : i32, i32
  }
  func.func @transform_4(%arg0: i32) -> (i32, i32) {
    %c0_i32 = arith.constant 0 : i32
    %c0_i32_0 = arith.constant 0 : i32
    %c0_i32_1 = arith.constant 0 : i32
    return %c0_i32, %c0_i32_0 : i32, i32
  }
  func.func @transform_5(%arg0: i32) -> (i32, i32) {
    %c0_i32 = arith.constant 0 : i32
    %c0_i32_0 = arith.constant 0 : i32
    %c0_i32_1 = arith.constant 0 : i32
    return %c0_i32, %c0_i32_0 : i32, i32
  }
  func.func @transform_6(%arg0: i32) -> (i32, i32) {
    %c0_i32 = arith.constant 0 : i32
    %c0_i32_0 = arith.constant 0 : i32
    return %arg0, %c0_i32 : i32, i32
  }
  func.func @transform_7(%arg0: i32) -> (i32, i32) {
    %c0_i32 = arith.constant 0 : i32
    %c0_i32_0 = arith.constant 0 : i32
    return %arg0, %c0_i32 : i32, i32
  }
  func.func @transform_8(%arg0: i32) -> (i32, i32) {
    %c0_i32 = arith.constant 0 : i32
    %c0_i32_0 = arith.constant 0 : i32
    %c0_i32_1 = arith.constant 0 : i32
    return %c0_i32, %c0_i32_0 : i32, i32
  }
  func.func @transform_9(%arg0: i32) -> (i32, i32) {
    %c0_i32 = arith.constant 0 : i32
    %c0_i32_0 = arith.constant 0 : i32
    %c0_i32_1 = arith.constant 0 : i32
    return %c0_i32, %c0_i32_0 : i32, i32
  }
  func.func @transform_10(%arg0: i32) -> (i32, i32) {
    %c0_i32 = arith.constant 0 : i32
    %c0_i32_0 = arith.constant 0 : i32
    %c0_i32_1 = arith.constant 0 : i32
    return %c0_i32, %c0_i32_0 : i32, i32
  }
  func.func @transform_11(%arg0: i32) -> (i32, i32) {
    %c0_i32 = arith.constant 0 : i32
    %c0_i32_0 = arith.constant 0 : i32
    %c0_i32_1 = arith.constant 0 : i32
    return %c0_i32, %c0_i32_0 : i32, i32
  }
  func.func @transform_12(%arg0: i32) -> (i32, i32) {
    %c0_i32 = arith.constant 0 : i32
    %c0_i32_0 = arith.constant 0 : i32
    %c0_i32_1 = arith.constant 0 : i32
    return %c0_i32, %c0_i32_0 : i32, i32
  }
  func.func @transform_13(%arg0: i32) -> (i32, i32) {
    %c0_i32 = arith.constant 0 : i32
    %c0_i32_0 = arith.constant 0 : i32
    %c0_i32_1 = arith.constant 0 : i32
    return %c0_i32, %c0_i32_0 : i32, i32
  }
  func.func @transform_14(%arg0: i32) -> (i32, i32) {
    %c0_i32 = arith.constant 0 : i32
    %c0_i32_0 = arith.constant 0 : i32
    %c0_i32_1 = arith.constant 0 : i32
    return %c0_i32, %c0_i32_0 : i32, i32
  }
  func.func @transform_15(%arg0: i32) -> (i32, i32) {
    %c0_i32 = arith.constant 0 : i32
    %c0_i32_0 = arith.constant 0 : i32
    %c0_i32_1 = arith.constant 0 : i32
    return %c0_i32, %c0_i32_0 : i32, i32
  }
  func.func @transform_16(%arg0: i32) -> (i32, i32) {
    %c0_i32 = arith.constant 0 : i32
    %c0_i32_0 = arith.constant 0 : i32
    %c0_i32_1 = arith.constant 0 : i32
    return %c0_i32, %c0_i32_0 : i32, i32
  }
  func.func @transform_17(%arg0: i32) -> (i32, i32) {
    %c0_i32 = arith.constant 0 : i32
    %c0_i32_0 = arith.constant 0 : i32
    %c0_i32_1 = arith.constant 0 : i32
    return %c0_i32, %c0_i32_0 : i32, i32
  }
  func.func @transform_18(%arg0: i32) -> (i32, i32) {
    %c0_i32 = arith.constant 0 : i32
    %c0_i32_0 = arith.constant 0 : i32
    return %arg0, %c0_i32 : i32, i32
  }
  func.func @transform_19(%arg0: i32) -> (i32, i32) {
    %c0_i32 = arith.constant 0 : i32
    %c0_i32_0 = arith.constant 0 : i32
    return %arg0, %c0_i32 : i32, i32
  }
}

</mosaic_0001>

<sc_bundles>
// kernel: kernel.4.cloned.1.call-start
scs
__scs_entry_jumppad:
0x0: {  	(pc) =	sbr.rel $0x88, $3  }
0x1: {  	(tag) =	ssettag $0x0;
	lr =	simm.s32 $0x1  }
0x2: {  	[smem:$0x3F85] =	sst lr;
	_ =	strace $0xD0000000  }
0x3: {  	_ = 	snop  }
0x4: {  	_ = 	snop  }
0x5: {  	_ = 	snop  }
0x6: {  	_ = 	snop  }
0x7: {  	_ = 	snop  }
__scs_overlays_trampoline_lowered:
0x8: {  	[smem:$0x3F94] =	sst s0  }
0x9: {  	[smem:$0x3F95] =	sst s1  }
0xa: {  	[smem:$0x3F96] =	sst s2  }
0xb: {  	[smem:$0x3F97] =	sst s3  }
0xc: {  	[smem:$0x3F98] =	sst s4  }
0xd: {  	[smem:$0x3F99] =	sst s5  }
0xe: {  	[smem:$0x3F9A] =	sst s6  }
0xf: {  	[smem:$0x3F9B] =	sst s7  }
0x10: {  	[smem:$0x3F9C] =	sst s8  }
0x11: {  	[smem:$0x3F9D] =	sst s9;
	s0 =	simm.s32 @!p0 $0x0  }
0x12: {  	s1 =	sld [smem:$0x3F83];
	s0 =	simm.s32 @p0 $0x1  }
0x13: {  	[smem:$0x3F9E] =	sst s0;
	s0 =	simm.s32 @!p1 $0x0  }
0x14: {  	s2 =	sld [smem:$0x3F82];
	s0 =	simm.s32 @p1 $0x1  }
0x15: {  	[smem:$0x3F9F] =	sst s0;
	s0 =	simm.s32 @!p2 $0x0  }
0x16: {  	s3 =	sld [smem:$0x3FDB];
	s0 =	simm.s32 @p2 $0x1  }
0x17: {  	s4 =	simm.s32 $0x1BF5;
	[smem:$0x3FA1] =	sst s0  }
0x18: {  	s0 =	sld [smem:$0x3F84];
	_ =	swait.ge [sflag:s4], $0x0  }
0x19: {  	s7 =	sld [smem:$0x3F85]  }
0x1a: {  	s8 =	sadd.s32 $0xFFFFE003, lr  }
0x1b: {  	s9 =	sadd.s32 $0xFFFFFEF7, lr;
	s5 =	simm.s32 $0xFFFFFFFF;
	p2 =	slt.u32 s8, $0xFFFFF086  }
0x1c: {  	p1 =	slt.u32 s9, $0xF7A;
	s5 =	simm.s32 @!p2 $0x0  }
0x1d: {  	s5 =	simm.s32 @p1 $0x1;
	p0 =	seq.s32 s7, s2  }
0x1e: {  	s7 =	smul.u32 @!p0 $0xF7A, s2;
	p2 =	seq.s32 @!p0 s5, $0x0  }
0x1f: {  	s9 =	smul.u32 $0xF7A, s1;
	s8 =	simm.s32 @!p0 $0x1BF5;
	p2 =	por !p2, p0  }
0x20: {  	[sflag:s8] =	ssyncset.s32 @!p0 $0xFFFFF086;
	s6 =	sadd.s32 @!p0 s3, s7;
	s7 =	simm.s32 @!p0 $0x108  }
0x21: {  	s3 =	sadd.s32 s3, s9;
	s6 =	sadd.s32 @!p0 $0x88, s6;
	s7 =	simm.s32 @p2 $0x1082  }
0x22: {  	[simem:s7], [sflag:s8] =	dma.local @!p0 [hbm:s6], $0xF7A  }
0x23: {  	s9 =	sor.u32 $0xD0000000, s2;
	s6 =	simm.s32 $0x108;
	_ =	swait.ge @!p0 [sflag:s8], $0x0  }
0x24: {  	s3 =	sadd.s32 $0x88, s3;
	s6 =	simm.s32 @!p1 $0x1082;
	[sflag:s4] =	ssyncset.s32 $0xFFFFF086  }
0x25: {  	[simem:s6], [sflag:s4] =	dma.local [hbm:s3], $0xF7A  }
0x26: {  	[smem:$0x3F85] =	sst s1;
	(tag) =	ssettag s2;
	_ =	strace s9  }
0x27: {  	s1 =	sld [smem:$0x3F95]  }
0x28: {  	s2 =	sld [smem:$0x3F96]  }
0x29: {  	s4 =	sld [smem:$0x3F98]  }
0x2a: {  	p0 =	seq.s32 s5, $0x0;
	s5 =	sld [smem:$0x3F99]  }
0x2b: {  	s6 =	sld [smem:$0x3F9A]  }
0x2c: {  	s7 =	sld [smem:$0x3F9B]  }
0x2d: {  	s3 =	simm.s32 $0x108;
	s8 =	sld [smem:$0x3F9C]  }
0x2e: {  	s3 =	simm.s32 @!p0 $0x1082;
	s9 =	sld [smem:$0x3F9D]  }
0x2f: {  	lr =	sadd.s32 s0, s3;
	s0 =	sld [smem:$0x3F94]  }
0x30: {  	s3 =	sld [smem:$0x3F97]  }
0x31: {  	[smem:$0x3FA0] =	sst s10  }
0x32: {  	s10 =	sld [smem:$0x3F9E];
	_ =	sdelay $0x3  }
0x33: {  	p0 =	seq.s32 s10, $0x1;
	s10 =	sld [smem:$0x3FA0];
	_ =	sdelay $0x3  }
0x34: {  	[smem:$0x3FA0] =	sst s10  }
0x35: {  	s10 =	sld [smem:$0x3F9F];
	_ =	sdelay $0x3  }
0x36: {  	p1 =	seq.s32 s10, $0x1;
	s10 =	sld [smem:$0x3FA0];
	_ =	sdelay $0x3  }
0x37: {  	[smem:$0x3FA0] =	sst s10  }
0x38: {  	s10 =	sld [smem:$0x3FA1]  }
0x39: {  	_ = 	snop;
	(pc) =	sbr.ind lr, $3  }
0x3a: {  	_ = 	snop  }
0x3b: {  	_ = 	snop  }
0x3c: {  	p2 =	seq.s32 s10, $0x1;
	s10 =	sld [smem:$0x3FA0]  }
0x3d: {  	_ =	shalt  }
0x3e: {  	_ =	shalt  }
0x3f: {  	_ =	shalt  }
0x40: {  	_ =	shalt  }
0x41: {  	_ =	shalt  }
0x42: {  	_ =	shalt  }
0x43: {  	_ =	shalt  }
0x44: {  	_ =	shalt  }
0x45: {  	_ =	shalt  }
0x46: {  	_ =	shalt  }
0x47: {  	_ =	shalt  }
0x48: {  	_ =	shalt  }
0x49: {  	_ =	shalt  }
0x4a: {  	_ =	shalt  }
0x4b: {  	_ =	shalt  }
0x4c: {  	_ =	shalt  }
0x4d: {  	_ =	shalt  }
0x4e: {  	_ =	shalt  }
0x4f: {  	_ =	shalt  }
0x50: {  	_ =	shalt  }
0x51: {  	_ =	shalt  }
0x52: {  	_ =	shalt  }
0x53: {  	_ =	shalt  }
0x54: {  	_ =	shalt  }
0x55: {  	_ =	shalt  }
0x56: {  	_ =	shalt  }
0x57: {  	_ =	shalt  }
0x58: {  	_ =	shalt  }
0x59: {  	_ =	shalt  }
0x5a: {  	_ =	shalt  }
0x5b: {  	_ =	shalt  }
0x5c: {  	_ =	shalt  }
0x5d: {  	_ =	shalt  }
0x5e: {  	_ =	shalt  }
0x5f: {  	_ =	shalt  }
0x60: {  	_ =	shalt  }
0x61: {  	_ =	shalt  }
0x62: {  	_ =	shalt  }
0x63: {  	_ =	shalt  }
0x64: {  	_ =	shalt  }
0x65: {  	_ =	shalt  }
0x66: {  	_ =	shalt  }
0x67: {  	_ =	shalt  }
0x68: {  	_ =	shalt  }
0x69: {  	_ =	shalt  }
0x6a: {  	_ =	shalt  }
0x6b: {  	_ =	shalt  }
0x6c: {  	_ =	shalt  }
0x6d: {  	_ =	shalt  }
0x6e: {  	_ =	shalt  }
0x6f: {  	_ =	shalt  }
0x70: {  	_ =	shalt  }
0x71: {  	_ =	shalt  }
0x72: {  	_ =	shalt  }
0x73: {  	_ =	shalt  }
0x74: {  	_ =	shalt  }
0x75: {  	_ =	shalt  }
0x76: {  	_ =	shalt  }
0x77: {  	_ =	shalt  }
0x78: {  	_ =	shalt  }
0x79: {  	_ =	shalt  }
0x7a: {  	_ =	shalt  }
0x7b: {  	_ =	shalt  }
0x7c: {  	_ =	shalt  }
0x7d: {  	_ =	shalt  }
0x7e: {  	_ =	shalt  }
0x7f: {  	_ =	shalt  }
0x80: {  	_ =	shalt  }
0x81: {  	_ =	shalt  }
0x82: {  	_ =	shalt  }
0x83: {  	_ =	shalt  }
0x84: {  	_ =	shalt  }
0x85: {  	_ =	shalt  }
0x86: {  	_ =	shalt  }
0x87: {  	_ =	shalt  }
.Lfunc_end0:
.L_simem_size_0:
called_computation_lowered:
.L_overlay_start_0:
0x88: {  	s2 =	sld [smem:$0x3FD9]  }
0x89: {  	s3 =	sld [smem:$0x3FFE];
	_ =	sdelay $0x1  }
0x8a: {  	s1 =	srdreg.scid  }
0x8b: {  	s0 =	sand.u32 $0x1, s1  }
0x8c: {  	s14 =	sshll.u32 s0, $0xA;
	s2 =	sadd.s32 s3, s2  }
0x8d: {  	s2 =	sadd.s32 s2, s14  }
0x8e: {  	[smem:$0x3FAC] =	sst s2  }
0x8f: {  	_ = 	snop  }
0x90: {  	s2 =	sld [smem:$0x3FC9]  }
0x91: {  	s15 =	sld [smem:$0x3FD0]  }
0x92: {  	s4 =	sld [smem:$0x3FC8]  }
0x93: {  	s5 =	sld [smem:$0x3FC7]  }
0x94: {  	s7 =	simm.s32 $0xA;
	s8 =	simm.s32 $0x10;
	s6 =	sld [smem:$0x3FC4]  }
0x95: {  	[smem:s8], [sflag:s7] =	dma.local [hbm:s15], $0x1  }
0x96: {  	_ =	swait.eq [sflag:s7], $0x1  }
0x97: {  	[sflag:s7] =	ssyncset.done $0x0  }
0x98: {  	s16 =	sld [smem:$0x10];
	[sflag:s7] =	ssyncadd.s32 $0xFFFFFFFF  }
0x99: {  	s17 =	sld [smem:$0x11];
	(tm) =	ssettm $0x1  }
0x9a: {  	s18 =	sld [smem:$0x3FFB];
	_ =	sdelay $0x3  }
0x9b: {  	_ =	strace s18  }
0x9c: {  	s8 =	sld [smem:$0x3FFC];
	_ =	sdelay $0x3  }
0x9d: {  	_ =	strace s8  }
0x9e: {  	s8 =	sld [smem:$0x3FFD];
	_ =	sdelay $0x3  }
0x9f: {  	_ =	strace s8  }
0xa0: {  	_ =	strace $0x8FFFFFFF  }
0xa1: {  	s19 =	sld [smem:$0x3FDB];
	_ =	sdelay $0x1  }
0xa2: {  	s9 =	simm.s32 $_scs_section_size  }
0xa3: {  	s10 =	simm.s32 $_size__tile_overlayer_lowered;
	s11 =	simm.s32 $_tile_overlayer_lowered  }
0xa4: {  	s22 =	simm.s32 $0x1BFF;
	s21 =	sshll.u32 s11, $0x1;
	s8 =	sadd.s32 s9, s19  }
0xa5: {  	s12 =	simm.s32 $0x0;
	s20 =	sshll.u32 s10, $0x1;
	s10 =	sadd.s32 s21, s8  }
0xa6: {  	[timem:s12], [sflag:s22] =	dma.local [hbm:s10], s20  }
0xa7: {  	_ =	swait.ge [sflag:s22], s20  }
0xa8: {  	s9 =	ssub.s32 $0x0, s20;
	[sflag:s22] =	ssyncset.done $0x0  }
0xa9: {  	[sflag:s22] =	ssyncadd.s32 s9;
	_ =	sdelay $0x1  }
0xaa: {  	s23 =	simm.s32 $0x1B8B  }
0xab: {  	_ =	swait.ge [sflag:s23], $0x1  }
0xac: {  	[sflag:s23] =	ssyncset.done $0x0  }
0xad: {  	s25 =	simm.s32 $0x1B8E;
	s24 =	sld [smem:$0x3FFE];
	[sflag:s23] =	ssyncadd.s32 $0xFFFFFFFF  }
0xae: {  	s26 =	simm.s32 $execute0_lowered;
	[smem:$0x3FD2] =	sst s25  }
0xaf: {  	s10 =	sshll.u32 s26, $0x1;
	_ =	strace $0x80000046;
	[dreg:$0x1] =	wrdreg $0xFFFFFFFF  }
0xb0: {  	s28 =	simm.s32 $_size_execute0_lowered;
	s8 =	sadd.s32 s8, s10;
	[dreg:$0x0] =	wrdreg $0x0  }
0xb1: {  	s10 =	sshll.u32 s28, $0x1;
	[dreg:$0x2] =	wrdreg s8  }
0xb2: {  	[dreg:$0x3] =	wrdreg s10  }
0xb3: {  	[dreg:$0x4] =	wrdreg $0xC0  }
0xb4: {  	_ =	task [dreg:s12], $0x5FFFF  }
0xb5: {  	[dreg:$0x1] =	wrdreg $0xFFFFFFFF  }
0xb6: {  	[dreg:$0x0] =	wrdreg $0x60  }
0xb7: {  	[dreg:$0x2] =	wrdreg s4  }
0xb8: {  	[dreg:$0x3] =	wrdreg s5  }
0xb9: {  	[dreg:$0x4] =	wrdreg s6  }
0xba: {  	[dreg:$0x5] =	wrdreg s2  }
0xbb: {  	[dreg:$0x6] =	wrdreg s16  }
0xbc: {  	[dreg:$0x7] =	wrdreg s17  }
0xbd: {  	[dreg:$0x8] =	wrdreg s24  }
0xbe: {  	[dreg:$0x9] =	wrdreg $0x0  }
0xbf: {  	[dreg:$0xa] =	wrdreg $0x9  }
0xc0: {  	_ =	task.clear_ibuf [dreg:s12], $0xBFFFF;
	_ =	strace $0x90000046  }
0xc1: {  	s29 =	simm.s32 $0x9;
	_ =	strace $0x80000051  }
0xc2: {  	_ =	swait.ge [sflag:s29], $0x1  }
0xc3: {  	[sflag:s29] =	ssyncadd.s32 $0xFFFFFFFF  }
0xc4: {  	_ =	strace $0x90000051  }
0xc5: {  	_ =	sfence  }
0xc6: {  	s30 =	sld [smem:$0x0];
	_ =	sdelay $0x2  }
0xc7: {  	s31 =	sshll.u32 s1, $0xD;
	s1 =	sshrl.u32 s1, $0x2  }
0xc8: {  	s3 =	sand.u32 $0x4000, s31;
	s1 =	sadd.s32 s1, s30  }
0xc9: {  	s0 =	sor.u32 s3, s0;
	s1 =	sshll.u32 s1, $0x11  }
0xca: {  	s0 =	sor.u32 s1, s0  }
0xcb: {  	s0 =	sadd.s32 $0x8F2B, s0  }
0xcc: {  	[sflag:s0] =	ssyncadd.remote.s32 $0x1  }
0xcd: {  	_ =	sfence.sel $0xFFFF  }
0xce: {  	[dreg:$0x0] =	wrdreg $0xFFFFFFFF;
	(pc) =	sbr.abs _section_cstart, $3  }
0xcf: {  	[dreg:$0x1] =	wrdreg $0xFFFFFFFF  }
0xd0: {  	_ =	task.clear_ibuf [dreg:s12], $0x2FFFF;
	_ =	strace $0x9FFFFFFF  }
0xd1: {  	(tm) =	ssettm $0x7FFFFFFF  }
tec
execute0_lowered:
.L_overlay_start_1:
0x0: {  	(tag) =	ssettag $0x1  }
0x1: {  	s0 =	rddreg [dreg:$0x0]  }
0x2: {  	s16 =	rddreg [dreg:$0x1]  }
0x3: {  	s9 =	rddreg [dreg:$0x2]  }
0x4: {  	s17 =	rddreg [dreg:$0x3]  }
0x5: {  	s5 =	rddreg [dreg:$0x4]  }
0x6: {  	s14 =	rddreg [dreg:$0x5]  }
0x7: {  	s19 =	rddreg [dreg:$0x6]  }
0x8: {  	s3 =	rddreg [dreg:$0x7]  }
0x9: {  	s1 =	rddreg [dreg:$0x8];
	s4 =	simm.s32 $0x0;
	s2 =	stileid.u32  }
0xa: {  	s10 =	srdreg.scid;
	[smem:$0x7FF] =	sst s4  }
0xb: {  	s6 =	sshll.u32 s2, $0xD;
	s20 =	sshll.u32 s2, $0xA;
	s29 =	sshll.u32 s2, $0x6  }
0xc: {  	_ =	strace $0x80000047;
	s7 =	sadd.s32 s6, s3;
	s5 =	sadd.s32 s5, s20  }
0xd: {  	s6 =	sor.u32 $0x1C01, s29;
	s8 =	sshrl.u32 s7, $0x3;
	s7 =	simm.s32 $0x1  }
0xe: {  	[spmem:s8], [sflag:s6] =	dma.local [hbm:s5], $0x400  }
0xf: {  	s21 =	sand.u32 $0x1, s10;
	_ =	swait.ge [sflag:s7], $0x400  }
0x10: {  	s11 =	sshll.u32 s2, $0x7;
	s10 =	sshll.u32 s21, $0xB;
	[sflag:s7] =	ssyncset.done $0x0  }
0x11: {  	s15 =	sor.u32 s11, s10;
	[sflag:s7] =	ssyncadd.s32 $0xFFFFFC00  }
0x12: {  	s18 =	sshrl.u32 s15, $0x3;
	[bflag:$0x0] =	sbarrier.arrive $0xFFFF  }
0x13: {  	s10 =	simm.s32 $0x2000;
	s9 =	sadd.s32 s9, s18;
	_ =	strace $0x80000048  }
0x14: {  	[tilespmem:s10], [sflag:$0x1] =	stream.linear.gather [hbm4b:s9+s4], $0x80, $0x200038;
	[tilespmem:$0xA100] =	vst v63  }
0x15: {  	_ =	strace $0x90000048  }
0x16: {  	_ =	strace $0x80000049  }
0x17: {  	_ =	swait.ge [sflag:s7], $0x80  }
0x18: {  	[sflag:s7] =	ssyncset.done $0x0  }
0x19: {  	[sflag:s7] =	ssyncadd.s32 $0xFFFFFF80  }
0x1a: {  	s12 =	simm.s32 $0x2100;
	_ =	strace $0x90000049  }
0x1b: {  	s13 =	simm.s32 $0x5;
	s11 =	simm.s32 $0x80;
	_ =	strace $0x8000004A  }
0x1c: {  	[tilespmem:s12], [sflag:$0x5] =	stream.indirect.gather [hbm4b:s0+s11], $0x80, s10, s11, $0x2000b8;
	[tilespmem:$0xA100] =	vst v63  }
0x1d: {  	_ =	swait.ge [sflag:s13], $0x4000  }
0x1e: {  	[sflag:s13] =	ssyncset.done $0x0  }
0x1f: {  	[sflag:s13] =	ssyncadd.s32 $0xFFFFC000  }
0x20: {  	s22 =	sshll.u32 s15, $0x4;
	_ =	strace $0x9000004A  }
0x21: {  	s14 =	sadd.s32 s14, s22;
	_ =	strace $0x8000004B  }
0x22: {  	[hbm4b:s14+s4] =	stream.linear.scatter [tilespmem:s12], [sflag:$0x3], $0x4000, $0x200038;
	[tilespmem:$0xA100] =	vst v63  }
0x23: {  	_ =	strace $0x9000004B  }
0x24: {  	s15 =	simm.s32 $0x3;
	_ =	strace $0x8000004C  }
0x25: {  	_ =	swait.ge [sflag:s15], $0x4000  }
0x26: {  	[sflag:s15] =	ssyncset.done $0x0  }
0x27: {  	[sflag:s15] =	ssyncadd.s32 $0xFFFFC000  }
0x28: {  	_ =	strace $0x9000004C  }
0x29: {  	s16 =	sadd.s32 s16, s22;
	_ =	strace $0x8000004D  }
0x2a: {  	[tilespmem:s10], [sflag:$0x1] =	stream.linear.gather [hbm4b:s16+s4], $0x4000, $0x200038;
	[tilespmem:$0xA100] =	vst v63  }
0x2b: {  	s17 =	sadd.s32 s17, s18;
	s18 =	simm.s32 $0xA000  }
0x2c: {  	[tilespmem:s18], [sflag:$0x3] =	stream.linear.gather [hbm4b:s17+s4], $0x80, $0x200038;
	[tilespmem:$0xA100] =	vst v63  }
0x2d: {  	_ =	strace $0x9000004D  }
0x2e: {  	_ =	strace $0x8000004E  }
0x2f: {  	_ =	swait.ge [sflag:s7], $0x4000  }
0x30: {  	[sflag:s7] =	ssyncset.done $0x0  }
0x31: {  	[sflag:s7] =	ssyncadd.s32 $0xFFFFC000  }
0x32: {  	_ =	strace $0x9000004E  }
0x33: {  	_ =	strace $0x8000004F  }
0x34: {  	_ =	swait.ge [sflag:s15], $0x80  }
0x35: {  	[sflag:s15] =	ssyncset.done $0x0  }
0x36: {  	[sflag:s15] =	ssyncadd.s32 $0xFFFFFF80  }
0x37: {  	s30 =	sshll.u32 s21, $0xE;
	s21 =	ssub.s32 $0x2, s21;
	_ =	strace $0x9000004F  }
0x38: {  	s31 =	sshrl.u32 s21, $0x1;
	_ =	strace $0x80000050  }
0x39: {  	[spmem:s3] =	stream.indirect.scatter.add.f32 [tilespmem:s10], [sflag:$0x5], $0x80, s18, s11, $0x2000b8;
	[tilespmem:$0xA100] =	vst v63  }
0x3a: {  	s21 =	ssub.s32 s21, s31;
	_ =	swait.ge [sflag:s13], $0x4000  }
0x3b: {  	s21 =	smax.u32 s21, $0x1;
	[sflag:s13] =	ssyncset.done $0x0  }
0x3c: {  	s19 =	sadd.s32 s30, s19;
	p0 =	sne.s32 s21, $0x1;
	[sflag:s13] =	ssyncadd.s32 $0xFFFFC000  }
.Ltmp0:
0x3d: {  	s19 =	sadd.s32 $0x3E00, s19;
	_ =	strace $0x90000050;
	(pc) =	sbr.rel @!p0 .LBB2_2-.Ltmp0, $4  }
0x3e: {  	s19 =	sadd.s32 s20, s19;
	[bflag:$0x0] =	sbarrier.arrive $0xFFFF  }
0x3f: {  	[hbm:s19], [sflag:s6] =	dma.local [spmem:s8], $0x400  }
0x40: {  	_ =	swait.ge [sflag:s7], $0x400  }
0x41: {  	s20 =	sadd.s32 $0xFFFFFFFF, s21;
	[sflag:s7] =	ssyncset.done $0x0  }
.LBB2_1:
0x42: {  	p0 =	sne.s32 s20, $0x1;
	s20 =	sadd.s32 $0xFFFFFFFF, s20;
	[sflag:s7] =	ssyncadd.s32 $0xFFFFFC00  }
0x43: {  	[spmem:s8], [sflag:s6] =	dma.local [hbm:s5], $0x400  }
0x44: {  	_ =	swait.ge [sflag:s7], $0x400  }
0x45: {  	[sflag:s7] =	ssyncset.done $0x0  }
0x46: {  	[sflag:s7] =	ssyncadd.s32 $0xFFFFFC00  }
0x47: {  	[bflag:$0x0] =	sbarrier.arrive $0xFFFF  }
0x48: {  	_ =	strace $0x80000048  }
0x49: {  	[tilespmem:s10], [sflag:$0x1] =	stream.linear.gather [hbm4b:s9+s4], $0x80, $0x200038;
	[tilespmem:$0xA100] =	vst v63  }
0x4a: {  	_ =	strace $0x90000048  }
0x4b: {  	_ =	strace $0x80000049  }
0x4c: {  	_ =	swait.ge [sflag:s7], $0x80  }
0x4d: {  	[sflag:s7] =	ssyncset.done $0x0  }
0x4e: {  	[sflag:s7] =	ssyncadd.s32 $0xFFFFFF80  }
0x4f: {  	_ =	strace $0x90000049  }
0x50: {  	_ =	strace $0x8000004A  }
0x51: {  	[tilespmem:s12], [sflag:$0x5] =	stream.indirect.gather [hbm4b:s0+s11], $0x80, s10, s11, $0x2000b8;
	[tilespmem:$0xA100] =	vst v63  }
0x52: {  	_ =	swait.ge [sflag:s13], $0x4000  }
0x53: {  	[sflag:s13] =	ssyncset.done $0x0  }
0x54: {  	[sflag:s13] =	ssyncadd.s32 $0xFFFFC000  }
0x55: {  	_ =	strace $0x9000004A  }
0x56: {  	_ =	strace $0x8000004B  }
0x57: {  	[hbm4b:s14+s4] =	stream.linear.scatter [tilespmem:s12], [sflag:$0x3], $0x4000, $0x200038;
	[tilespmem:$0xA100] =	vst v63  }
0x58: {  	_ =	strace $0x9000004B  }
0x59: {  	_ =	strace $0x8000004C  }
0x5a: {  	_ =	swait.ge [sflag:s15], $0x4000  }
0x5b: {  	[sflag:s15] =	ssyncset.done $0x0  }
0x5c: {  	[sflag:s15] =	ssyncadd.s32 $0xFFFFC000  }
0x5d: {  	_ =	strace $0x9000004C  }
0x5e: {  	_ =	strace $0x8000004D  }
0x5f: {  	[tilespmem:s10], [sflag:$0x1] =	stream.linear.gather [hbm4b:s16+s4], $0x4000, $0x200038;
	[tilespmem:$0xA100] =	vst v63  }
0x60: {  	_ = 	snop  }
0x61: {  	[tilespmem:s18], [sflag:$0x3] =	stream.linear.gather [hbm4b:s17+s4], $0x80, $0x200038;
	[tilespmem:$0xA100] =	vst v63  }
0x62: {  	_ =	strace $0x9000004D  }
0x63: {  	_ =	strace $0x8000004E  }
0x64: {  	_ =	swait.ge [sflag:s7], $0x4000  }
0x65: {  	[sflag:s7] =	ssyncset.done $0x0  }
0x66: {  	[sflag:s7] =	ssyncadd.s32 $0xFFFFC000  }
0x67: {  	_ =	strace $0x9000004E  }
0x68: {  	_ =	strace $0x8000004F  }
0x69: {  	_ =	swait.ge [sflag:s15], $0x80  }
0x6a: {  	[sflag:s15] =	ssyncset.done $0x0  }
0x6b: {  	[sflag:s15] =	ssyncadd.s32 $0xFFFFFF80  }
0x6c: {  	_ =	strace $0x9000004F  }
0x6d: {  	_ =	strace $0x80000050  }
0x6e: {  	[spmem:s3] =	stream.indirect.scatter.add.f32 [tilespmem:s10], [sflag:$0x5], $0x80, s18, s11, $0x2000b8;
	[tilespmem:$0xA100] =	vst v63  }
0x6f: {  	_ =	swait.ge [sflag:s13], $0x4000  }
0x70: {  	[sflag:s13] =	ssyncset.done $0x0  }
0x71: {  	[sflag:s13] =	ssyncadd.s32 $0xFFFFC000  }
.Ltmp1:
0x72: {  	_ =	strace $0x90000050;
	(pc) =	sbr.rel @p0 .LBB2_1-.Ltmp1, $4  }
0x73: {  	[bflag:$0x0] =	sbarrier.arrive $0xFFFF  }
0x74: {  	[hbm:s19], [sflag:s6] =	dma.local [spmem:s8], $0x400  }
0x75: {  	_ =	swait.ge [sflag:s7], $0x400  }
0x76: {  	[sflag:s7] =	ssyncset.done $0x0  }
.LBB2_2:
0x77: {  	[sflag:s7] =	ssyncadd.s32 $0xFFFFFC00  }
0x78: {  	_ =	sfence.sel $0x180000  }
0x79: {  	[bflag:$0x0] =	sbarrier.arrive $0xFFFF  }
0x7a: {  	p0 =	sne.s32 s2, $0x0;
	_ =	strace $0x90000047  }
0x7b: {  	s0 =	sadd.s32 @!p0 $0x100000, s1;
	[bflag:$0x2] =	sbarrier.arrive $0xFFFF  }
0x7c: {  	[sflag:s0] =	ssyncadd.tile.s32 @!p0 $0x1;
	_ =	shalt  }
.Lfunc_end2:
_tile_overlayer_lowered:
.L_overlay_start_2:
0x7d: {  	(tag) =	ssettag $0x2  }
0x7e: {  	s0 =	rddreg [dreg:$0x0];
	s2 =	stileid.u32  }
0x7f: {  	s1 =	rddreg [dreg:$0x1];
	p0 =	sne.s32 s2, $0x0  }
0x80: {  	s3 =	rddreg [dreg:$0x2];
	[bflag:$0x3] =	sbarrier.arrive $0xFFFF;
	s2 =	simm.s32 @!p0 $0x1C01  }
0x81: {  	[timem:s3], [sflag:s2] =	dma.local @!p0 [hbm:s0], s1  }
0x82: {  	s0 =	simm.s32 @!p0 $0x1  }
0x83: {  	_ =	swait.ge @!p0 [sflag:s0], s1  }
0x84: {  	s1 =	ssub.s32 @!p0 $0x0, s1;
	[sflag:s0] =	ssyncset.done @!p0 $0x0  }
0x85: {  	[sflag:s0] =	ssyncadd.s32 @!p0 s1  }
0x86: {  	[bflag:$0x3] =	sbarrier.arrive $0xFFFF  }
0x87: {  	_ =	shalt  }

</sc_bundles>
